<compile_context>
chip_gen: v7x
topology: tpu7x:2x2x1
jax: 0.10.2.dev20260603
libtpu: 0.0.44.dev20260713+nightly
codegen_flags: <defaults>
</compile_context>

<pallas_src>
import functools

import jax
import jax.numpy as jnp
from jax import lax
from jax.experimental import pallas as pl
from jax.experimental.pallas import tpu as pltpu
from jax.experimental.pallas import tpu_sc as plsc

NC = 2
NS = 16
NW = NC * NS
L = 16
CH = 128


def _k1_scalars(x_ref, er_ref, wa_ref, wa2_ref, ssrc_ref, sdst_ref, srel_ref):
    d = x_ref.shape[1]
    w = jnp.dot(wa2_ref[:], wa_ref[:], preferred_element_type=jnp.float32)
    ssrc_ref[:] = jnp.sum(x_ref[:] * w[:, :d], axis=1, keepdims=True)
    sdst_ref[:] = jnp.sum(x_ref[:] * w[:, d:2 * d], axis=1, keepdims=True)
    srel_ref[:] = jnp.sum(er_ref[:] * w[:, 2 * d:], axis=1, keepdims=True)


def _k4_combine(p_ref, o_ref):
    nn = o_ref.shape[0]
    o_ref[:] = p_ref[0, :nn, :] + p_ref[1, :nn, :]


def kernel(x, edge_index, edge_type, pm_pd, emb_rel, W_att, W_att2):
    del pm_pd
    n, d = x.shape
    e_total = edge_type.shape[0]
    r = emb_rel.shape[0]

    rows = e_total // CH
    rpw = pl.cdiv(pl.cdiv(rows, NW), 8) * 8
    rows_pad = rpw * NW
    npad = pl.cdiv(n, NS * L) * NS * L
    nband = npad // NS
    hband = npad // NS
    rpad = pl.cdiv(r, L) * L * 2

    er_p = jnp.zeros((rpad, d), jnp.float32).at[:r].set(emb_rel)
    s_src, s_dst, s_rel = pl.pallas_call(
        _k1_scalars,
        out_shape=(
            jax.ShapeDtypeStruct((n, 1), jnp.float32),
            jax.ShapeDtypeStruct((n, 1), jnp.float32),
            jax.ShapeDtypeStruct((rpad, 1), jnp.float32),
        ),
    )(x, er_p, W_att, W_att2)
    s_src = s_src.reshape(n)
    s_dst = s_dst.reshape(n)
    s_rel = s_rel.reshape(rpad)

    pad_e = rows_pad * CH - e_total
    src2d = jnp.pad(edge_index[0], (0, pad_e)).reshape(rows_pad, CH)
    dst2d = jnp.pad(edge_index[1], (0, pad_e)).reshape(rows_pad, CH)
    et2d = jnp.pad(edge_type, (0, pad_e)).reshape(rows_pad, CH)

    mesh = plsc.VectorSubcoreMesh(core_axis_name="c", subcore_axis_name="s")

    @functools.partial(
        pl.kernel,
        out_type=(
            jax.ShapeDtypeStruct((rows_pad, CH), jnp.float32),
            jax.ShapeDtypeStruct((NC * npad,), jnp.float32),
        ),
        mesh=mesh,
        compiler_params=pltpu.CompilerParams(needs_layout_passes=False),
        scratch_types=[
            pltpu.VMEM((n,), jnp.float32),
            pltpu.VMEM((n,), jnp.float32),
            pltpu.VMEM((rpad,), jnp.float32),
            pltpu.VMEM((rpw, CH), jnp.int32),
            pltpu.VMEM((rpw, CH), jnp.int32),
            pltpu.VMEM((rpw, CH), jnp.int32),
            pltpu.VMEM((rpw, CH), jnp.float32),
            pltpu.VMEM((npad,), jnp.float32),
            pltpu.VMEM_SHARED((NS, npad), jnp.float32),
            pltpu.VMEM((NS, nband), jnp.float32),
            pltpu.VMEM((nband,), jnp.float32),
        ],
    )
    def _k2(ssrc_hbm, sdst_hbm, srel_hbm, src_hbm, dst_hbm, et_hbm,
            ee_hbm, den_hbm,
            ssrc_v, sdst_v, srel_v, srcb, dstb, etb, eeb, denp,
            stage_sp, redv, outv):
        c = lax.axis_index("c")
        s = lax.axis_index("s")
        base = (c * NS + s) * rpw

        pltpu.sync_copy(ssrc_hbm, ssrc_v)
        pltpu.sync_copy(sdst_hbm, sdst_v)
        pltpu.sync_copy(srel_hbm, srel_v)
        pltpu.sync_copy(src_hbm.at[pl.ds(base, rpw), :], srcb)
        pltpu.sync_copy(dst_hbm.at[pl.ds(base, rpw), :], dstb)
        pltpu.sync_copy(et_hbm.at[pl.ds(base, rpw), :], etb)

        def zero_body(i, carry):
            denp[pl.ds(i * L, L)] = jnp.zeros((L,), jnp.float32)
            return carry
        lax.fori_loop(0, npad // L, zero_body, None)

        def chunk_body(j, carry):
            @pl.when(base + j < rows)
            def _():
                def grp_body(i, c2):
                    sl = pl.ds(i * L, L)
                    si = srcb[j, sl]
                    di = dstb[j, sl]
                    ti = etb[j, sl]
                    ev = (plsc.load_gather(ssrc_v, [si])
                          + plsc.load_gather(sdst_v, [di])
                          + plsc.load_gather(srel_v, [ti]))
                    ev = jnp.where(ev >= 0.0, ev, ev * jnp.float32(0.01))
                    ee = jnp.exp(ev)
                    eeb[j, sl] = ee
                    plsc.addupdate_scatter(denp, [di], ee)
                    return c2
                lax.fori_loop(0, CH // L, grp_body, None)
            return carry
        lax.fori_loop(0, rpw, chunk_body, None)

        pltpu.sync_copy(eeb, ee_hbm.at[pl.ds(base, rpw), :])

        pltpu.sync_copy(denp, stage_sp.at[s])
        plsc.subcore_barrier()
        pltpu.sync_copy(stage_sp.at[:, pl.ds(s * nband, nband)], redv)

        def red_body(i, carry):
            sl = pl.ds(i * L, L)
            acc = redv[0, sl]
            for k in range(1, NS):
                acc = acc + redv[k, sl]
            outv[sl] = acc
            return carry
        lax.fori_loop(0, nband // L, red_body, None)
        pltpu.sync_copy(outv, den_hbm.at[pl.ds(c * npad + s * nband, nband)])

    ee2d, den_part = _k2(s_src, s_dst, s_rel, src2d, dst2d, et2d)

    BB = 16
    nblk = rpw // BB

    @functools.partial(
        pl.kernel,
        out_type=jax.ShapeDtypeStruct((NC, n, d), jnp.float32),
        mesh=mesh,
        compiler_params=pltpu.CompilerParams(needs_layout_passes=False),
        scratch_types=[
            pltpu.VMEM((npad,), jnp.float32),
            pltpu.VMEM((npad,), jnp.float32),
            pltpu.VMEM((BB, CH), jnp.int32),
            pltpu.VMEM((BB, CH), jnp.int32),
            pltpu.VMEM((BB, CH), jnp.float32),
            pltpu.VMEM((CH,), jnp.float32),
            pltpu.VMEM((CH, d), jnp.float32),
            pltpu.VMEM_SHARED((n, d), jnp.float32),
            pltpu.SemaphoreType.DMA,
        ],
    )
    def _k3(x_hbm, src_hbm, dst_hbm, ee_hbm, den_hbm, out_hbm,
            denb, dent, srcb, dstb, eeb, alb, rowb, hout_sp, sem):
        c = lax.axis_index("c")
        s = lax.axis_index("s")
        base = (c * NS + s) * rpw

        pltpu.sync_copy(den_hbm.at[pl.ds(0, npad)], denb)
        pltpu.sync_copy(den_hbm.at[pl.ds(npad, npad)], dent)

        def add_body(i, carry):
            sl = pl.ds(i * L, L)
            denb[sl] = denb[sl] + dent[sl]
            return carry
        lax.fori_loop(0, npad // L, add_body, None)

        def zrow_body(i, carry):
            rowb[i // (d // L), pl.ds((i % (d // L)) * L, L)] = (
                jnp.zeros((L,), jnp.float32))
            return carry
        lax.fori_loop(0, CH * d // (L * L), zrow_body, None)
        band = pl.multiple_of(jnp.minimum(s * hband, n - hband), 16)
        nfull = hband // CH
        for k in range(nfull):
            pltpu.sync_copy(rowb, hout_sp.at[pl.ds(band + k * CH, CH), :])
        rem = hband - nfull * CH
        if rem:
            pltpu.sync_copy(rowb.at[pl.ds(0, rem), :],
                            hout_sp.at[pl.ds(band + nfull * CH, rem), :])
        plsc.subcore_barrier()

        def blk_body(b, carry):
            brow = base + b * BB
            pltpu.sync_copy(src_hbm.at[pl.ds(brow, BB), :], srcb)
            pltpu.sync_copy(dst_hbm.at[pl.ds(brow, BB), :], dstb)
            pltpu.sync_copy(ee_hbm.at[pl.ds(brow, BB), :], eeb)

            def chunk_body(j, carry2):
                @pl.when(brow + j < rows)
                def _():
                    desc = pltpu.async_copy(x_hbm.at[srcb.at[j]], rowb, sem)

                    def alpha_body(i, c2):
                        sl = pl.ds(i * L, L)
                        di = dstb[j, sl]
                        den = plsc.load_gather(denb, [di])
                        alb[sl] = eeb[j, sl] / den
                        return c2
                    lax.fori_loop(0, CH // L, alpha_body, None)

                    desc.wait()

                    def scale_body(rr, c2):
                        for u in range(4):
                            r2 = rr * 4 + u
                            spl = plsc.load_gather(
                                alb, [jnp.full((L,), r2, jnp.int32)])
                            for g in range(d // L):
                                sl = pl.ds(g * L, L)
                                rowb[r2, sl] = rowb[r2, sl] * spl
                        return c2
                    lax.fori_loop(0, CH // 4, scale_body, None)

                    pltpu.sync_copy(rowb, hout_sp.at[dstb.at[j]], add=True)
                return carry2
            lax.fori_loop(0, BB, chunk_body, None)
            return carry
        lax.fori_loop(0, nblk, blk_body, None)

        plsc.subcore_barrier()
        pltpu.sync_copy(hout_sp.at[pl.ds(band, hband), :],
                        out_hbm.at[c, pl.ds(band, hband), :])

    h_part = _k3(x, src2d, dst2d, ee2d, den_part)

    h_out = pl.pallas_call(
        _k4_combine,
        out_shape=jax.ShapeDtypeStruct((n, d), jnp.float32),
    )(h_part)
    return h_out

# --- scband reference (transcript-rebuilt; emitter-appended) ---
"""Pipeline reference for scband-union-rgatlayer-74431783240015 (READ-ONLY COPY).

The authoritative reference and input builder live on the scoring server;
editing this copy changes nothing except your own understanding.
"""

import jax, jax.numpy as jnp
import numpy as np

N_NODES = 10000
N_EDGES = 320000
D = 128
N_RELS = 200


def setup_inputs(seed: int = 0) -> dict:
    key = jax.random.key(seed)
    ks = jax.random.split(key, 8)
    x = jax.random.normal(ks[0], (N_NODES, D), dtype=jnp.float32)
    edge_index = jax.random.randint(ks[1], (2, N_EDGES), 0, N_NODES, dtype=jnp.int32)
    edge_type = jax.random.randint(ks[2], (N_EDGES,), 0, N_RELS, dtype=jnp.int32)
    pm_pd = jnp.zeros((1,), dtype=jnp.float32)
    emb_rel = jax.random.normal(ks[3], (N_RELS, D), dtype=jnp.float32)
    # learned params (xavier-ish scaling)
    W_att = jax.random.normal(ks[4], (D, 3 * D), dtype=jnp.float32) * float(np.sqrt(2.0 / (4 * D)))
    W_att2 = jax.random.normal(ks[5], (1, D), dtype=jnp.float32) * float(np.sqrt(2.0 / (D + 1)))
    return {"x": x, "edge_index": edge_index, "edge_type": edge_type,
            "pm_pd": pm_pd, "emb_rel": emb_rel, "W_att": W_att, "W_att2": W_att2}


def reference(x, edge_index, edge_type, pm_pd, emb_rel, W_att, W_att2):
    # pm_pd is unused by the original forward as well
    src = edge_index[0]
    dst = edge_index[1]
    h_src = jnp.take(x, src, axis=0)          # gather [E, D]
    h_dst = jnp.take(x, dst, axis=0)          # gather [E, D]
    rel = jnp.take(emb_rel, edge_type, axis=0)  # gather [E, D]
    # edge_attention: attn_fc2(attn_fc(cat[src, dst, rel])) -> leaky_relu
    z2 = jnp.concatenate([h_src, h_dst, rel], axis=1)   # [E, 3D]
    a = z2 @ W_att.T                                     # [E, D]
    e = jax.nn.leaky_relu(a @ W_att2.T, negative_slope=0.01)[:, 0]  # [E]
    # per-destination softmax over incoming edges (reduce_func)
    m = jax.ops.segment_max(e, dst, num_segments=N_NODES)      # [N]
    e_exp = jnp.exp(e - jnp.take(m, dst))                      # [E]
    denom = jax.ops.segment_sum(e_exp, dst, num_segments=N_NODES)  # [N]
    alpha = e_exp / jnp.take(denom, dst)                       # [E]
    # weighted sum of source features per destination node
    h_out = jax.ops.segment_sum(alpha[:, None] * h_src, dst, num_segments=N_NODES)  # [N, D]
    # self_loop=False, skip_connect=False, activation=None, dropout=0
    return h_out

if __name__ == "__main__":
    import jax
    _d = setup_inputs()
    print(jax.jit(kernel)(*tuple(_d.values())))

</pallas_src>

<mosaic_0001>
#map = affine_map<(d0, d1) -> (0)>
#map1 = affine_map<(d0, d1) -> (0, 0)>
module attributes {stable_mosaic.version = 14 : i64} {
  func.func @_k2(%arg0: i32, %arg1: i32, %arg2: memref<10000xf32, #tpu.memory_space<hbm>>, %arg3: memref<10000xf32, #tpu.memory_space<hbm>>, %arg4: memref<416xf32, #tpu.memory_space<hbm>>, %arg5: memref<2560x128xi32, #tpu.memory_space<hbm>>, %arg6: memref<2560x128xi32, #tpu.memory_space<hbm>>, %arg7: memref<2560x128xi32, #tpu.memory_space<hbm>>, %arg8: memref<2560x128xf32, #tpu.memory_space<hbm>>, %arg9: memref<20480xf32, #tpu.memory_space<hbm>>, %arg10: memref<10000xf32, #tpu.memory_space<vmem>>, %arg11: memref<10000xf32, #tpu.memory_space<vmem>>, %arg12: memref<416xf32, #tpu.memory_space<vmem>>, %arg13: memref<80x128xi32, #tpu.memory_space<vmem>>, %arg14: memref<80x128xi32, #tpu.memory_space<vmem>>, %arg15: memref<80x128xi32, #tpu.memory_space<vmem>>, %arg16: memref<80x128xf32, #tpu.memory_space<vmem>>, %arg17: memref<10240xf32, #tpu.memory_space<vmem>>, %arg18: memref<16x10240xf32, #tpu.memory_space<vmem_shared>>, %arg19: memref<16x640xf32, #tpu.memory_space<vmem>>, %arg20: memref<640xf32, #tpu.memory_space<vmem>>) attributes {dimension_semantics = [#tpu.dimension_semantics<core_parallel>, #tpu.dimension_semantics<subcore_parallel>], iteration_bounds = array<i64: 2, 16>, scalar_prefetch = 0 : i64, scratch_operands = 11 : i64, tpu.core_type = #tpu.core_type<sc_vector_subcore>, window_params = [{transform_indices = #map}, {transform_indices = #map}, {transform_indices = #map}, {transform_indices = #map1}, {transform_indices = #map1}, {transform_indices = #map1}, {transform_indices = #map1}, {transform_indices = #map}]} {
    %mul3A = arith.constant 16 : i32
    %mul3A_0 = arith.muli %arg0, %mul3A : i32
    %add3A = arith.addi %mul3A_0, %arg1 : i32
    %mul3A_1 = arith.constant 80 : i32
    %mul3A_2 = arith.muli %add3A, %mul3A_1 : i32
    "tpu.region"() ({
      %run_scoped3A = tpu.sem_alloc : memref<!tpu.dma_semaphore, #tpu.memory_space<semaphore_mem>>
      tpu.enqueue_dma source(%arg2 : memref<10000xf32, #tpu.memory_space<hbm>>) target(%arg10 : memref<10000xf32, #tpu.memory_space<vmem>>) target_semaphore(%run_scoped3A : memref<!tpu.dma_semaphore, #tpu.memory_space<semaphore_mem>>)
      tpu.wait_dma2 semaphore(%run_scoped3A : memref<!tpu.dma_semaphore, #tpu.memory_space<semaphore_mem>>) src(%arg2 : memref<10000xf32, #tpu.memory_space<hbm>>) dst(%arg10 : memref<10000xf32, #tpu.memory_space<vmem>>)
      tpu.yield
    }) : () -> ()
    "tpu.region"() ({
      %run_scoped3A = tpu.sem_alloc : memref<!tpu.dma_semaphore, #tpu.memory_space<semaphore_mem>>
      tpu.enqueue_dma source(%arg3 : memref<10000xf32, #tpu.memory_space<hbm>>) target(%arg11 : memref<10000xf32, #tpu.memory_space<vmem>>) target_semaphore(%run_scoped3A : memref<!tpu.dma_semaphore, #tpu.memory_space<semaphore_mem>>)
      tpu.wait_dma2 semaphore(%run_scoped3A : memref<!tpu.dma_semaphore, #tpu.memory_space<semaphore_mem>>) src(%arg3 : memref<10000xf32, #tpu.memory_space<hbm>>) dst(%arg11 : memref<10000xf32, #tpu.memory_space<vmem>>)
      tpu.yield
    }) : () -> ()
    "tpu.region"() ({
      %run_scoped3A = tpu.sem_alloc : memref<!tpu.dma_semaphore, #tpu.memory_space<semaphore_mem>>
      tpu.enqueue_dma source(%arg4 : memref<416xf32, #tpu.memory_space<hbm>>) target(%arg12 : memref<416xf32, #tpu.memory_space<vmem>>) target_semaphore(%run_scoped3A : memref<!tpu.dma_semaphore, #tpu.memory_space<semaphore_mem>>)
      tpu.wait_dma2 semaphore(%run_scoped3A : memref<!tpu.dma_semaphore, #tpu.memory_space<semaphore_mem>>) src(%arg4 : memref<416xf32, #tpu.memory_space<hbm>>) dst(%arg12 : memref<416xf32, #tpu.memory_space<vmem>>)
      tpu.yield
    }) : () -> ()
    "tpu.region"() ({
      %run_scoped3A = tpu.sem_alloc : memref<!tpu.dma_semaphore, #tpu.memory_space<semaphore_mem>>
      %dma_start3A = arith.constant 0 : i32
      %dma_start3A_24 = tpu.memref_slice %arg5[%mul3A_2, %dma_start3A] : memref<2560x128xi32, #tpu.memory_space<hbm>> -> memref<80x128xi32, #tpu.memory_space<hbm>>
      %dma_start3A_25 = arith.constant 0 : i32
      %dma_start3A_26 = tpu.memref_slice %arg5[%mul3A_2, %dma_start3A_25] : memref<2560x128xi32, #tpu.memory_space<hbm>> -> memref<80x128xi32, #tpu.memory_space<hbm>>
      tpu.enqueue_dma source(%dma_start3A_26 : memref<80x128xi32, #tpu.memory_space<hbm>>) target(%arg13 : memref<80x128xi32, #tpu.memory_space<vmem>>) target_semaphore(%run_scoped3A : memref<!tpu.dma_semaphore, #tpu.memory_space<semaphore_mem>>)
      %dma_wait3A = arith.constant 0 : i32
      %dma_wait3A_27 = tpu.memref_slice %arg5[%mul3A_2, %dma_wait3A] : memref<2560x128xi32, #tpu.memory_space<hbm>> -> memref<80x128xi32, #tpu.memory_space<hbm>>
      %dma_wait3A_28 = arith.constant 0 : i32
      %dma_wait3A_29 = tpu.memref_slice %arg5[%mul3A_2, %dma_wait3A_28] : memref<2560x128xi32, #tpu.memory_space<hbm>> -> memref<80x128xi32, #tpu.memory_space<hbm>>
      tpu.wait_dma2 semaphore(%run_scoped3A : memref<!tpu.dma_semaphore, #tpu.memory_space<semaphore_mem>>) src(%dma_wait3A_29 : memref<80x128xi32, #tpu.memory_space<hbm>>) dst(%arg13 : memref<80x128xi32, #tpu.memory_space<vmem>>)
      tpu.yield
    }) : () -> ()
    "tpu.region"() ({
      %run_scoped3A = tpu.sem_alloc : memref<!tpu.dma_semaphore, #tpu.memory_space<semaphore_mem>>
      %dma_start3A = arith.constant 0 : i32
      %dma_start3A_24 = tpu.memref_slice %arg6[%mul3A_2, %dma_start3A] : memref<2560x128xi32, #tpu.memory_space<hbm>> -> memref<80x128xi32, #tpu.memory_space<hbm>>
      %dma_start3A_25 = arith.constant 0 : i32
      %dma_start3A_26 = tpu.memref_slice %arg6[%mul3A_2, %dma_start3A_25] : memref<2560x128xi32, #tpu.memory_space<hbm>> -> memref<80x128xi32, #tpu.memory_space<hbm>>
      tpu.enqueue_dma source(%dma_start3A_26 : memref<80x128xi32, #tpu.memory_space<hbm>>) target(%arg14 : memref<80x128xi32, #tpu.memory_space<vmem>>) target_semaphore(%run_scoped3A : memref<!tpu.dma_semaphore, #tpu.memory_space<semaphore_mem>>)
      %dma_wait3A = arith.constant 0 : i32
      %dma_wait3A_27 = tpu.memref_slice %arg6[%mul3A_2, %dma_wait3A] : memref<2560x128xi32, #tpu.memory_space<hbm>> -> memref<80x128xi32, #tpu.memory_space<hbm>>
      %dma_wait3A_28 = arith.constant 0 : i32
      %dma_wait3A_29 = tpu.memref_slice %arg6[%mul3A_2, %dma_wait3A_28] : memref<2560x128xi32, #tpu.memory_space<hbm>> -> memref<80x128xi32, #tpu.memory_space<hbm>>
      tpu.wait_dma2 semaphore(%run_scoped3A : memref<!tpu.dma_semaphore, #tpu.memory_space<semaphore_mem>>) src(%dma_wait3A_29 : memref<80x128xi32, #tpu.memory_space<hbm>>) dst(%arg14 : memref<80x128xi32, #tpu.memory_space<vmem>>)
      tpu.yield
    }) : () -> ()
    "tpu.region"() ({
      %run_scoped3A = tpu.sem_alloc : memref<!tpu.dma_semaphore, #tpu.memory_space<semaphore_mem>>
      %dma_start3A = arith.constant 0 : i32
      %dma_start3A_24 = tpu.memref_slice %arg7[%mul3A_2, %dma_start3A] : memref<2560x128xi32, #tpu.memory_space<hbm>> -> memref<80x128xi32, #tpu.memory_space<hbm>>
      %dma_start3A_25 = arith.constant 0 : i32
      %dma_start3A_26 = tpu.memref_slice %arg7[%mul3A_2, %dma_start3A_25] : memref<2560x128xi32, #tpu.memory_space<hbm>> -> memref<80x128xi32, #tpu.memory_space<hbm>>
      tpu.enqueue_dma source(%dma_start3A_26 : memref<80x128xi32, #tpu.memory_space<hbm>>) target(%arg15 : memref<80x128xi32, #tpu.memory_space<vmem>>) target_semaphore(%run_scoped3A : memref<!tpu.dma_semaphore, #tpu.memory_space<semaphore_mem>>)
      %dma_wait3A = arith.constant 0 : i32
      %dma_wait3A_27 = tpu.memref_slice %arg7[%mul3A_2, %dma_wait3A] : memref<2560x128xi32, #tpu.memory_space<hbm>> -> memref<80x128xi32, #tpu.memory_space<hbm>>
      %dma_wait3A_28 = arith.constant 0 : i32
      %dma_wait3A_29 = tpu.memref_slice %arg7[%mul3A_2, %dma_wait3A_28] : memref<2560x128xi32, #tpu.memory_space<hbm>> -> memref<80x128xi32, #tpu.memory_space<hbm>>
      tpu.wait_dma2 semaphore(%run_scoped3A : memref<!tpu.dma_semaphore, #tpu.memory_space<semaphore_mem>>) src(%dma_wait3A_29 : memref<80x128xi32, #tpu.memory_space<hbm>>) dst(%arg15 : memref<80x128xi32, #tpu.memory_space<vmem>>)
      tpu.yield
    }) : () -> ()
    %scan3A = arith.constant 0 : i32
    %scan3A_3 = arith.constant 640 : i32
    %scan3A_4 = arith.addi %scan3A, %scan3A_3 : i32
    %scan3A_5 = arith.constant 1 : i32
    scf.for %scan3A_24 = %scan3A to %scan3A_4 step %scan3A_5  : i32 {
      %broadcast_in_dim3A = arith.constant 0.000000e+00 : f32
      %broadcast_in_dim3A_25 = vector.broadcast %broadcast_in_dim3A : f32 to vector<16xf32>
      %mul3A_26 = arith.constant 16 : i32
      %mul3A_27 = arith.muli %scan3A_24, %mul3A_26 : i32
      %swap3A = arith.index_cast %mul3A_27 : i32 to index
      %swap3A_28 = tpu.vector_load %arg17[%swap3A] {strides = array<i32>} : memref<10240xf32, #tpu.memory_space<vmem>>, vector<16xf32>,
      tpu.vector_store %arg17[%swap3A], %broadcast_in_dim3A_25 {strides = array<i32>} : memref<10240xf32, #tpu.memory_space<vmem>>, vector<16xf32>,
    }
    %scan3A_6 = arith.constant 640 : i32
    %scan3A_7 = arith.constant 0 : i32
    %scan3A_8 = arith.constant 80 : i32
    %scan3A_9 = arith.addi %scan3A_7, %scan3A_8 : i32
    %scan3A_10 = arith.constant 1 : i32
    scf.for %scan3A_24 = %scan3A_7 to %scan3A_9 step %scan3A_10  : i32 {
      %add3A_25 = arith.addi %mul3A_2, %scan3A_24 : i32
      %lt3A = arith.constant 2500 : i32
      %lt3A_26 = arith.cmpi slt, %add3A_25, %lt3A : i32
      %convert_element_type3A = arith.extui %lt3A_26 : i1 to i32
      %cond3A = arith.constant 0 : i32
      %cond3A_27 = arith.cmpi ne, %convert_element_type3A, %cond3A : i32
      scf.if %cond3A_27 {
        %scan3A_28 = arith.constant 0 : i32
        %scan3A_29 = arith.constant 8 : i32
        %scan3A_30 = arith.addi %scan3A_28, %scan3A_29 : i32
        %scan3A_31 = arith.constant 1 : i32
        scf.for %scan3A_33 = %scan3A_28 to %scan3A_30 step %scan3A_31  : i32 {
          %mul3A_34 = arith.constant 16 : i32
          %mul3A_35 = arith.muli %scan3A_33, %mul3A_34 : i32
          %get3A = arith.index_cast %scan3A_24 : i32 to index
          %get3A_36 = arith.index_cast %mul3A_35 : i32 to index
          %get3A_37 = tpu.vector_load %arg13[%get3A, %get3A_36] {strides = array<i32>} : memref<80x128xi32, #tpu.memory_space<vmem>>, vector<16xi32>,
          %get3A_38 = arith.index_cast %scan3A_24 : i32 to index
          %get3A_39 = arith.index_cast %mul3A_35 : i32 to index
          %get3A_40 = tpu.vector_load %arg14[%get3A_38, %get3A_39] {strides = array<i32>} : memref<80x128xi32, #tpu.memory_space<vmem>>, vector<16xi32>,
          %get3A_41 = arith.index_cast %scan3A_24 : i32 to index
          %get3A_42 = arith.index_cast %mul3A_35 : i32 to index
          %get3A_43 = tpu.vector_load %arg15[%get3A_41, %get3A_42] {strides = array<i32>} : memref<80x128xi32, #tpu.memory_space<vmem>>, vector<16xi32>,
          %gather3A = tpu.vector_load_idx %arg10[%get3A_37] : memref<10000xf32, #tpu.memory_space<vmem>>[vector<16xi32>], vector<16xf32>,
          %gather3A_44 = tpu.vector_load_idx %arg11[%get3A_40] : memref<10000xf32, #tpu.memory_space<vmem>>[vector<16xi32>], vector<16xf32>,
          %add3A_45 = arith.addf %gather3A, %gather3A_44 : vector<16xf32>
          %gather3A_46 = tpu.vector_load_idx %arg12[%get3A_43] : memref<416xf32, #tpu.memory_space<vmem>>[vector<16xi32>], vector<16xf32>,
          %add3A_47 = arith.addf %add3A_45, %gather3A_46 : vector<16xf32>
          %ge3A = arith.constant 0.000000e+00 : f32
          %ge3A_48 = vector.broadcast %ge3A : f32 to vector<16xf32>
          %ge3A_49 = arith.cmpf oge, %add3A_47, %ge3A_48 : vector<16xf32>
          %mul3A_50 = arith.constant 0.00999999977 : f32
          %mul3A_51 = vector.broadcast %mul3A_50 : f32 to vector<16xf32>
          %mul3A_52 = arith.mulf %add3A_47, %mul3A_51 : vector<16xf32>
          %select_n3A = arith.select %ge3A_49, %add3A_47, %mul3A_52 : vector<16xi1>, vector<16xf32>
          %exp3A = math.exp %select_n3A : vector<16xf32>
          %swap3A = arith.index_cast %scan3A_24 : i32 to index
          %swap3A_53 = arith.index_cast %mul3A_35 : i32 to index
          %swap3A_54 = tpu.vector_load %arg16[%swap3A, %swap3A_53] {strides = array<i32>} : memref<80x128xf32, #tpu.memory_space<vmem>>, vector<16xf32>,
          tpu.vector_store %arg16[%swap3A, %swap3A_53], %exp3A {strides = array<i32>} : memref<80x128xf32, #tpu.memory_space<vmem>>, vector<16xf32>,
          tpu.vector_store_idx %arg17[%get3A_40], %exp3A {add = true} : memref<10240xf32, #tpu.memory_space<vmem>>[vector<16xi32>], vector<16xf32>,
        }
        %scan3A_32 = arith.constant 8 : i32
      } else {
      }
    }
    %scan3A_11 = arith.constant 80 : i32
    "tpu.region"() ({
      %run_scoped3A = tpu.sem_alloc : memref<!tpu.dma_semaphore, #tpu.memory_space<semaphore_mem>>
      %dma_start3A = arith.constant 0 : i32
      %dma_start3A_24 = tpu.memref_slice %arg8[%mul3A_2, %dma_start3A] : memref<2560x128xf32, #tpu.memory_space<hbm>> -> memref<80x128xf32, #tpu.memory_space<hbm>>
      %dma_start3A_25 = arith.constant 0 : i32
      %dma_start3A_26 = tpu.memref_slice %arg8[%mul3A_2, %dma_start3A_25] : memref<2560x128xf32, #tpu.memory_space<hbm>> -> memref<80x128xf32, #tpu.memory_space<hbm>>
      tpu.enqueue_dma source(%arg16 : memref<80x128xf32, #tpu.memory_space<vmem>>) target(%dma_start3A_26 : memref<80x128xf32, #tpu.memory_space<hbm>>) target_semaphore(%run_scoped3A : memref<!tpu.dma_semaphore, #tpu.memory_space<semaphore_mem>>)
      %dma_wait3A = arith.constant 0 : i32
      %dma_wait3A_27 = tpu.memref_slice %arg8[%mul3A_2, %dma_wait3A] : memref<2560x128xf32, #tpu.memory_space<hbm>> -> memref<80x128xf32, #tpu.memory_space<hbm>>
      %dma_wait3A_28 = arith.constant 0 : i32
      %dma_wait3A_29 = tpu.memref_slice %arg8[%mul3A_2, %dma_wait3A_28] : memref<2560x128xf32, #tpu.memory_space<hbm>> -> memref<80x128xf32, #tpu.memory_space<hbm>>
      tpu.wait_dma2 semaphore(%run_scoped3A : memref<!tpu.dma_semaphore, #tpu.memory_space<semaphore_mem>>) src(%arg16 : memref<80x128xf32, #tpu.memory_space<vmem>>) dst(%dma_wait3A_29 : memref<80x128xf32, #tpu.memory_space<hbm>>)
      tpu.yield
    }) : () -> ()
    "tpu.region"() ({
      %run_scoped3A = tpu.sem_alloc : memref<!tpu.dma_semaphore, #tpu.memory_space<semaphore_mem>>
      %dma_start3A = arith.constant 0 : i32
      %dma_start3A_24 = tpu.memref_slice %arg18[%arg1, %dma_start3A] : memref<16x10240xf32, #tpu.memory_space<vmem_shared>> -> memref<1x10240xf32, #tpu.memory_space<vmem_shared>>
      %dma_start3A_25 = tpu.memref_squeeze %dma_start3A_24 : memref<1x10240xf32, #tpu.memory_space<vmem_shared>> -> memref<10240xf32, #tpu.memory_space<vmem_shared>>
      %dma_start3A_26 = arith.constant 0 : i32
      %dma_start3A_27 = tpu.memref_slice %arg18[%arg1, %dma_start3A_26] : memref<16x10240xf32, #tpu.memory_space<vmem_shared>> -> memref<1x10240xf32, #tpu.memory_space<vmem_shared>>
      %dma_start3A_28 = tpu.memref_squeeze %dma_start3A_27 : memref<1x10240xf32, #tpu.memory_space<vmem_shared>> -> memref<10240xf32, #tpu.memory_space<vmem_shared>>
      tpu.enqueue_dma source(%arg17 : memref<10240xf32, #tpu.memory_space<vmem>>) target(%dma_start3A_28 : memref<10240xf32, #tpu.memory_space<vmem_shared>>) target_semaphore(%run_scoped3A : memref<!tpu.dma_semaphore, #tpu.memory_space<semaphore_mem>>)
      %dma_wait3A = arith.constant 0 : i32
      %dma_wait3A_29 = tpu.memref_slice %arg18[%arg1, %dma_wait3A] : memref<16x10240xf32, #tpu.memory_space<vmem_shared>> -> memref<1x10240xf32, #tpu.memory_space<vmem_shared>>
      %dma_wait3A_30 = tpu.memref_squeeze %dma_wait3A_29 : memref<1x10240xf32, #tpu.memory_space<vmem_shared>> -> memref<10240xf32, #tpu.memory_space<vmem_shared>>
      %dma_wait3A_31 = arith.constant 0 : i32
      %dma_wait3A_32 = tpu.memref_slice %arg18[%arg1, %dma_wait3A_31] : memref<16x10240xf32, #tpu.memory_space<vmem_shared>> -> memref<1x10240xf32, #tpu.memory_space<vmem_shared>>
      %dma_wait3A_33 = tpu.memref_squeeze %dma_wait3A_32 : memref<1x10240xf32, #tpu.memory_space<vmem_shared>> -> memref<10240xf32, #tpu.memory_space<vmem_shared>>
      tpu.wait_dma2 semaphore(%run_scoped3A : memref<!tpu.dma_semaphore, #tpu.memory_space<semaphore_mem>>) src(%arg17 : memref<10240xf32, #tpu.memory_space<vmem>>) dst(%dma_wait3A_33 : memref<10240xf32, #tpu.memory_space<vmem_shared>>)
      tpu.yield
    }) : () -> ()
    %barrier3A = arith.constant 0 : index
    tpu.barrier barrier_id(%barrier3A)
    %mul3A_12 = arith.constant 640 : i32
    %mul3A_13 = arith.muli %arg1, %mul3A_12 : i32
    "tpu.region"() ({
      %run_scoped3A = tpu.sem_alloc : memref<!tpu.dma_semaphore, #tpu.memory_space<semaphore_mem>>
      %dma_start3A = arith.constant 0 : i32
      %dma_start3A_24 = tpu.memref_slice %arg18[%dma_start3A, %mul3A_13] : memref<16x10240xf32, #tpu.memory_space<vmem_shared>> -> memref<16x640xf32, #tpu.memory_space<vmem_shared>>
      %dma_start3A_25 = arith.constant 0 : i32
      %dma_start3A_26 = tpu.memref_slice %arg18[%dma_start3A_25, %mul3A_13] : memref<16x10240xf32, #tpu.memory_space<vmem_shared>> -> memref<16x640xf32, #tpu.memory_space<vmem_shared>>
      tpu.enqueue_dma source(%dma_start3A_26 : memref<16x640xf32, #tpu.memory_space<vmem_shared>>) target(%arg19 : memref<16x640xf32, #tpu.memory_space<vmem>>) target_semaphore(%run_scoped3A : memref<!tpu.dma_semaphore, #tpu.memory_space<semaphore_mem>>)
      %dma_wait3A = arith.constant 0 : i32
      %dma_wait3A_27 = tpu.memref_slice %arg18[%dma_wait3A, %mul3A_13] : memref<16x10240xf32, #tpu.memory_space<vmem_shared>> -> memref<16x640xf32, #tpu.memory_space<vmem_shared>>
      %dma_wait3A_28 = arith.constant 0 : i32
      %dma_wait3A_29 = tpu.memref_slice %arg18[%dma_wait3A_28, %mul3A_13] : memref<16x10240xf32, #tpu.memory_space<vmem_shared>> -> memref<16x640xf32, #tpu.memory_space<vmem_shared>>
      tpu.wait_dma2 semaphore(%run_scoped3A : memref<!tpu.dma_semaphore, #tpu.memory_space<semaphore_mem>>) src(%dma_wait3A_29 : memref<16x640xf32, #tpu.memory_space<vmem_shared>>) dst(%arg19 : memref<16x640xf32, #tpu.memory_space<vmem>>)
      tpu.yield
    }) : () -> ()
    %scan3A_14 = arith.constant 0 : i32
    %scan3A_15 = arith.constant 40 : i32
    %scan3A_16 = arith.addi %scan3A_14, %scan3A_15 : i32
    %scan3A_17 = arith.constant 1 : i32
    scf.for %scan3A_24 = %scan3A_14 to %scan3A_16 step %scan3A_17  : i32 {
      %mul3A_25 = arith.constant 16 : i32
      %mul3A_26 = arith.muli %scan3A_24, %mul3A_25 : i32
      %get3A = arith.constant 0 : i32
      %get3A_27 = arith.index_cast %get3A : i32 to index
      %get3A_28 = arith.index_cast %mul3A_26 : i32 to index
      %get3A_29 = tpu.vector_load %arg19[%get3A_27, %get3A_28] {strides = array<i32>} : memref<16x640xf32, #tpu.memory_space<vmem>>, vector<16xf32>,
      %get3A_30 = arith.constant 1 : i32
      %get3A_31 = arith.index_cast %get3A_30 : i32 to index
      %get3A_32 = arith.index_cast %mul3A_26 : i32 to index
      %get3A_33 = tpu.vector_load %arg19[%get3A_31, %get3A_32] {strides = array<i32>} : memref<16x640xf32, #tpu.memory_space<vmem>>, vector<16xf32>,
      %add3A_34 = arith.addf %get3A_29, %get3A_33 : vector<16xf32>
      %get3A_35 = arith.constant 2 : i32
      %get3A_36 = arith.index_cast %get3A_35 : i32 to index
      %get3A_37 = arith.index_cast %mul3A_26 : i32 to index
      %get3A_38 = tpu.vector_load %arg19[%get3A_36, %get3A_37] {strides = array<i32>} : memref<16x640xf32, #tpu.memory_space<vmem>>, vector<16xf32>,
      %add3A_39 = arith.addf %add3A_34, %get3A_38 : vector<16xf32>
      %get3A_40 = arith.constant 3 : i32
      %get3A_41 = arith.index_cast %get3A_40 : i32 to index
      %get3A_42 = arith.index_cast %mul3A_26 : i32 to index
      %get3A_43 = tpu.vector_load %arg19[%get3A_41, %get3A_42] {strides = array<i32>} : memref<16x640xf32, #tpu.memory_space<vmem>>, vector<16xf32>,
      %add3A_44 = arith.addf %add3A_39, %get3A_43 : vector<16xf32>
      %get3A_45 = arith.constant 4 : i32
      %get3A_46 = arith.index_cast %get3A_45 : i32 to index
      %get3A_47 = arith.index_cast %mul3A_26 : i32 to index
      %get3A_48 = tpu.vector_load %arg19[%get3A_46, %get3A_47] {strides = array<i32>} : memref<16x640xf32, #tpu.memory_space<vmem>>, vector<16xf32>,
      %add3A_49 = arith.addf %add3A_44, %get3A_48 : vector<16xf32>
      %get3A_50 = arith.constant 5 : i32
      %get3A_51 = arith.index_cast %get3A_50 : i32 to index
      %get3A_52 = arith.index_cast %mul3A_26 : i32 to index
      %get3A_53 = tpu.vector_load %arg19[%get3A_51, %get3A_52] {strides = array<i32>} : memref<16x640xf32, #tpu.memory_space<vmem>>, vector<16xf32>,
      %add3A_54 = arith.addf %add3A_49, %get3A_53 : vector<16xf32>
      %get3A_55 = arith.constant 6 : i32
      %get3A_56 = arith.index_cast %get3A_55 : i32 to index
      %get3A_57 = arith.index_cast %mul3A_26 : i32 to index
      %get3A_58 = tpu.vector_load %arg19[%get3A_56, %get3A_57] {strides = array<i32>} : memref<16x640xf32, #tpu.memory_space<vmem>>, vector<16xf32>,
      %add3A_59 = arith.addf %add3A_54, %get3A_58 : vector<16xf32>
      %get3A_60 = arith.constant 7 : i32
      %get3A_61 = arith.index_cast %get3A_60 : i32 to index
      %get3A_62 = arith.index_cast %mul3A_26 : i32 to index
      %get3A_63 = tpu.vector_load %arg19[%get3A_61, %get3A_62] {strides = array<i32>} : memref<16x640xf32, #tpu.memory_space<vmem>>, vector<16xf32>,
      %add3A_64 = arith.addf %add3A_59, %get3A_63 : vector<16xf32>
      %get3A_65 = arith.constant 8 : i32
      %get3A_66 = arith.index_cast %get3A_65 : i32 to index
      %get3A_67 = arith.index_cast %mul3A_26 : i32 to index
      %get3A_68 = tpu.vector_load %arg19[%get3A_66, %get3A_67] {strides = array<i32>} : memref<16x640xf32, #tpu.memory_space<vmem>>, vector<16xf32>,
      %add3A_69 = arith.addf %add3A_64, %get3A_68 : vector<16xf32>
      %get3A_70 = arith.constant 9 : i32
      %get3A_71 = arith.index_cast %get3A_70 : i32 to index
      %get3A_72 = arith.index_cast %mul3A_26 : i32 to index
      %get3A_73 = tpu.vector_load %arg19[%get3A_71, %get3A_72] {strides = array<i32>} : memref<16x640xf32, #tpu.memory_space<vmem>>, vector<16xf32>,
      %add3A_74 = arith.addf %add3A_69, %get3A_73 : vector<16xf32>
      %get3A_75 = arith.constant 10 : i32
      %get3A_76 = arith.index_cast %get3A_75 : i32 to index
      %get3A_77 = arith.index_cast %mul3A_26 : i32 to index
      %get3A_78 = tpu.vector_load %arg19[%get3A_76, %get3A_77] {strides = array<i32>} : memref<16x640xf32, #tpu.memory_space<vmem>>, vector<16xf32>,
      %add3A_79 = arith.addf %add3A_74, %get3A_78 : vector<16xf32>
      %get3A_80 = arith.constant 11 : i32
      %get3A_81 = arith.index_cast %get3A_80 : i32 to index
      %get3A_82 = arith.index_cast %mul3A_26 : i32 to index
      %get3A_83 = tpu.vector_load %arg19[%get3A_81, %get3A_82] {strides = array<i32>} : memref<16x640xf32, #tpu.memory_space<vmem>>, vector<16xf32>,
      %add3A_84 = arith.addf %add3A_79, %get3A_83 : vector<16xf32>
      %get3A_85 = arith.constant 12 : i32
      %get3A_86 = arith.index_cast %get3A_85 : i32 to index
      %get3A_87 = arith.index_cast %mul3A_26 : i32 to index
      %get3A_88 = tpu.vector_load %arg19[%get3A_86, %get3A_87] {strides = array<i32>} : memref<16x640xf32, #tpu.memory_space<vmem>>, vector<16xf32>,
      %add3A_89 = arith.addf %add3A_84, %get3A_88 : vector<16xf32>
      %get3A_90 = arith.constant 13 : i32
      %get3A_91 = arith.index_cast %get3A_90 : i32 to index
      %get3A_92 = arith.index_cast %mul3A_26 : i32 to index
      %get3A_93 = tpu.vector_load %arg19[%get3A_91, %get3A_92] {strides = array<i32>} : memref<16x640xf32, #tpu.memory_space<vmem>>, vector<16xf32>,
      %add3A_94 = arith.addf %add3A_89, %get3A_93 : vector<16xf32>
      %get3A_95 = arith.constant 14 : i32
      %get3A_96 = arith.index_cast %get3A_95 : i32 to index
      %get3A_97 = arith.index_cast %mul3A_26 : i32 to index
      %get3A_98 = tpu.vector_load %arg19[%get3A_96, %get3A_97] {strides = array<i32>} : memref<16x640xf32, #tpu.memory_space<vmem>>, vector<16xf32>,
      %add3A_99 = arith.addf %add3A_94, %get3A_98 : vector<16xf32>
      %get3A_100 = arith.constant 15 : i32
      %get3A_101 = arith.index_cast %get3A_100 : i32 to index
      %get3A_102 = arith.index_cast %mul3A_26 : i32 to index
      %get3A_103 = tpu.vector_load %arg19[%get3A_101, %get3A_102] {strides = array<i32>} : memref<16x640xf32, #tpu.memory_space<vmem>>, vector<16xf32>,
      %add3A_104 = arith.addf %add3A_99, %get3A_103 : vector<16xf32>
      %swap3A = arith.index_cast %mul3A_26 : i32 to index
      %swap3A_105 = tpu.vector_load %arg20[%swap3A] {strides = array<i32>} : memref<640xf32, #tpu.memory_space<vmem>>, vector<16xf32>,
      tpu.vector_store %arg20[%swap3A], %add3A_104 {strides = array<i32>} : memref<640xf32, #tpu.memory_space<vmem>>, vector<16xf32>,
    }
    %scan3A_18 = arith.constant 40 : i32
    %mul3A_19 = arith.constant 10240 : i32
    %mul3A_20 = arith.muli %arg0, %mul3A_19 : i32
    %mul3A_21 = arith.constant 640 : i32
    %mul3A_22 = arith.muli %arg1, %mul3A_21 : i32
    %add3A_23 = arith.addi %mul3A_20, %mul3A_22 : i32
    "tpu.region"() ({
      %run_scoped3A = tpu.sem_alloc : memref<!tpu.dma_semaphore, #tpu.memory_space<semaphore_mem>>
      %dma_start3A = tpu.memref_slice %arg9[%add3A_23] : memref<20480xf32, #tpu.memory_space<hbm>> -> memref<640xf32, #tpu.memory_space<hbm>>
      %dma_start3A_24 = tpu.memref_slice %arg9[%add3A_23] : memref<20480xf32, #tpu.memory_space<hbm>> -> memref<640xf32, #tpu.memory_space<hbm>>
      tpu.enqueue_dma source(%arg20 : memref<640xf32, #tpu.memory_space<vmem>>) target(%dma_start3A_24 : memref<640xf32, #tpu.memory_space<hbm>>) target_semaphore(%run_scoped3A : memref<!tpu.dma_semaphore, #tpu.memory_space<semaphore_mem>>)
      %dma_wait3A = tpu.memref_slice %arg9[%add3A_23] : memref<20480xf32, #tpu.memory_space<hbm>> -> memref<640xf32, #tpu.memory_space<hbm>>
      %dma_wait3A_25 = tpu.memref_slice %arg9[%add3A_23] : memref<20480xf32, #tpu.memory_space<hbm>> -> memref<640xf32, #tpu.memory_space<hbm>>
      tpu.wait_dma2 semaphore(%run_scoped3A : memref<!tpu.dma_semaphore, #tpu.memory_space<semaphore_mem>>) src(%arg20 : memref<640xf32, #tpu.memory_space<vmem>>) dst(%dma_wait3A_25 : memref<640xf32, #tpu.memory_space<hbm>>)
      tpu.yield
    }) : () -> ()
    return
  }
}

#map = affine_map<(d0, d1) -> (0, 0)>
#map1 = affine_map<(d0, d1) -> (0)>
#map2 = affine_map<(d0, d1) -> (0, 0, 0)>
module attributes {stable_mosaic.version = 14 : i64} {
  func.func @_k3(%arg0: i32, %arg1: i32, %arg2: memref<10000x128xf32, #tpu.memory_space<hbm>>, %arg3: memref<2560x128xi32, #tpu.memory_space<hbm>>, %arg4: memref<2560x128xi32, #tpu.memory_space<hbm>>, %arg5: memref<2560x128xf32, #tpu.memory_space<hbm>>, %arg6: memref<20480xf32, #tpu.memory_space<hbm>>, %arg7: memref<2x10000x128xf32, #tpu.memory_space<hbm>>, %arg8: memref<10240xf32, #tpu.memory_space<vmem>>, %arg9: memref<10240xf32, #tpu.memory_space<vmem>>, %arg10: memref<16x128xi32, #tpu.memory_space<vmem>>, %arg11: memref<16x128xi32, #tpu.memory_space<vmem>>, %arg12: memref<16x128xf32, #tpu.memory_space<vmem>>, %arg13: memref<128xf32, #tpu.memory_space<vmem>>, %arg14: memref<128x128xf32, #tpu.memory_space<vmem>>, %arg15: memref<10000x128xf32, #tpu.memory_space<vmem_shared>>, %arg16: memref<!tpu.dma_semaphore, #tpu.memory_space<semaphore_mem>>) attributes {dimension_semantics = [#tpu.dimension_semantics<core_parallel>, #tpu.dimension_semantics<subcore_parallel>], iteration_bounds = array<i64: 2, 16>, scalar_prefetch = 0 : i64, scratch_operands = 9 : i64, tpu.core_type = #tpu.core_type<sc_vector_subcore>, window_params = [{transform_indices = #map}, {transform_indices = #map}, {transform_indices = #map}, {transform_indices = #map}, {transform_indices = #map1}, {transform_indices = #map2}]} {
    %mul3A = arith.constant 16 : i32
    %mul3A_0 = arith.muli %arg0, %mul3A : i32
    %add3A = arith.addi %mul3A_0, %arg1 : i32
    %mul3A_1 = arith.constant 80 : i32
    %mul3A_2 = arith.muli %add3A, %mul3A_1 : i32
    "tpu.region"() ({
      %run_scoped3A = tpu.sem_alloc : memref<!tpu.dma_semaphore, #tpu.memory_space<semaphore_mem>>
      %dma_start3A = arith.constant 0 : i32
      %dma_start3A_31 = tpu.memref_slice %arg6[%dma_start3A] : memref<20480xf32, #tpu.memory_space<hbm>> -> memref<10240xf32, #tpu.memory_space<hbm>>
      %dma_start3A_32 = arith.constant 0 : i32
      %dma_start3A_33 = tpu.memref_slice %arg6[%dma_start3A_32] : memref<20480xf32, #tpu.memory_space<hbm>> -> memref<10240xf32, #tpu.memory_space<hbm>>
      tpu.enqueue_dma source(%dma_start3A_33 : memref<10240xf32, #tpu.memory_space<hbm>>) target(%arg8 : memref<10240xf32, #tpu.memory_space<vmem>>) target_semaphore(%run_scoped3A : memref<!tpu.dma_semaphore, #tpu.memory_space<semaphore_mem>>)
      %dma_wait3A = arith.constant 0 : i32
      %dma_wait3A_34 = tpu.memref_slice %arg6[%dma_wait3A] : memref<20480xf32, #tpu.memory_space<hbm>> -> memref<10240xf32, #tpu.memory_space<hbm>>
      %dma_wait3A_35 = arith.constant 0 : i32
      %dma_wait3A_36 = tpu.memref_slice %arg6[%dma_wait3A_35] : memref<20480xf32, #tpu.memory_space<hbm>> -> memref<10240xf32, #tpu.memory_space<hbm>>
      tpu.wait_dma2 semaphore(%run_scoped3A : memref<!tpu.dma_semaphore, #tpu.memory_space<semaphore_mem>>) src(%dma_wait3A_36 : memref<10240xf32, #tpu.memory_space<hbm>>) dst(%arg8 : memref<10240xf32, #tpu.memory_space<vmem>>)
      tpu.yield
    }) : () -> ()
    "tpu.region"() ({
      %run_scoped3A = tpu.sem_alloc : memref<!tpu.dma_semaphore, #tpu.memory_space<semaphore_mem>>
      %dma_start3A = arith.constant 10240 : i32
      %dma_start3A_31 = tpu.memref_slice %arg6[%dma_start3A] : memref<20480xf32, #tpu.memory_space<hbm>> -> memref<10240xf32, #tpu.memory_space<hbm>>
      %dma_start3A_32 = arith.constant 10240 : i32
      %dma_start3A_33 = tpu.memref_slice %arg6[%dma_start3A_32] : memref<20480xf32, #tpu.memory_space<hbm>> -> memref<10240xf32, #tpu.memory_space<hbm>>
      tpu.enqueue_dma source(%dma_start3A_33 : memref<10240xf32, #tpu.memory_space<hbm>>) target(%arg9 : memref<10240xf32, #tpu.memory_space<vmem>>) target_semaphore(%run_scoped3A : memref<!tpu.dma_semaphore, #tpu.memory_space<semaphore_mem>>)
      %dma_wait3A = arith.constant 10240 : i32
      %dma_wait3A_34 = tpu.memref_slice %arg6[%dma_wait3A] : memref<20480xf32, #tpu.memory_space<hbm>> -> memref<10240xf32, #tpu.memory_space<hbm>>
      %dma_wait3A_35 = arith.constant 10240 : i32
      %dma_wait3A_36 = tpu.memref_slice %arg6[%dma_wait3A_35] : memref<20480xf32, #tpu.memory_space<hbm>> -> memref<10240xf32, #tpu.memory_space<hbm>>
      tpu.wait_dma2 semaphore(%run_scoped3A : memref<!tpu.dma_semaphore, #tpu.memory_space<semaphore_mem>>) src(%dma_wait3A_36 : memref<10240xf32, #tpu.memory_space<hbm>>) dst(%arg9 : memref<10240xf32, #tpu.memory_space<vmem>>)
      tpu.yield
    }) : () -> ()
    %scan3A = arith.constant 0 : i32
    %scan3A_3 = arith.constant 640 : i32
    %scan3A_4 = arith.addi %scan3A, %scan3A_3 : i32
    %scan3A_5 = arith.constant 1 : i32
    scf.for %scan3A_31 = %scan3A to %scan3A_4 step %scan3A_5  : i32 {
      %mul3A_32 = arith.constant 16 : i32
      %mul3A_33 = arith.muli %scan3A_31, %mul3A_32 : i32
      %get3A = arith.index_cast %mul3A_33 : i32 to index
      %get3A_34 = tpu.vector_load %arg8[%get3A] {strides = array<i32>} : memref<10240xf32, #tpu.memory_space<vmem>>, vector<16xf32>,
      %get3A_35 = arith.index_cast %mul3A_33 : i32 to index
      %get3A_36 = tpu.vector_load %arg9[%get3A_35] {strides = array<i32>} : memref<10240xf32, #tpu.memory_space<vmem>>, vector<16xf32>,
      %add3A_37 = arith.addf %get3A_34, %get3A_36 : vector<16xf32>
      %swap3A = arith.index_cast %mul3A_33 : i32 to index
      %swap3A_38 = tpu.vector_load %arg8[%swap3A] {strides = array<i32>} : memref<10240xf32, #tpu.memory_space<vmem>>, vector<16xf32>,
      tpu.vector_store %arg8[%swap3A], %add3A_37 {strides = array<i32>} : memref<10240xf32, #tpu.memory_space<vmem>>, vector<16xf32>,
    }
    %scan3A_6 = arith.constant 640 : i32
    %scan3A_7 = arith.constant 0 : i32
    %scan3A_8 = arith.constant 64 : i32
    %scan3A_9 = arith.addi %scan3A_7, %scan3A_8 : i32
    %scan3A_10 = arith.constant 1 : i32
    scf.for %scan3A_31 = %scan3A_7 to %scan3A_9 step %scan3A_10  : i32 {
      %broadcast_in_dim3A = arith.constant 0.000000e+00 : f32
      %broadcast_in_dim3A_32 = vector.broadcast %broadcast_in_dim3A : f32 to vector<16xf32>
      %jit3A = arith.constant 8 : i32
      %div3A = arith.divsi %scan3A_31, %jit3A : i32
      %sign3A = arith.constant 0 : i32
      %sign3A_33 = arith.cmpi sgt, %scan3A_31, %sign3A : i32
      %sign3A_34 = arith.extui %sign3A_33 : i1 to i32
      %sign3A_35 = arith.constant 0 : i32
      %sign3A_36 = arith.cmpi slt, %scan3A_31, %sign3A_35 : i32
      %sign3A_37 = arith.extui %sign3A_36 : i1 to i32
      %sign3A_38 = arith.subi %sign3A_34, %sign3A_37 : i32
      %sign3A_39 = arith.constant 0 : i32
      %sign3A_40 = arith.cmpi sgt, %jit3A, %sign3A_39 : i32
      %sign3A_41 = arith.extui %sign3A_40 : i1 to i32
      %sign3A_42 = arith.constant 0 : i32
      %sign3A_43 = arith.cmpi slt, %jit3A, %sign3A_42 : i32
      %sign3A_44 = arith.extui %sign3A_43 : i1 to i32
      %sign3A_45 = arith.subi %sign3A_41, %sign3A_44 : i32
      %ne3A = arith.cmpi ne, %sign3A_38, %sign3A_45 : i32
      %rem3A = arith.remsi %scan3A_31, %jit3A : i32
      %ne3A_46 = arith.constant 0 : i32
      %ne3A_47 = arith.cmpi ne, %rem3A, %ne3A_46 : i32
      %and3A = arith.andi %ne3A, %ne3A_47 : i1
      %sub3A = arith.constant 1 : i32
      %sub3A_48 = arith.subi %div3A, %sub3A : i32
      %select_n3A = arith.select %and3A, %sub3A_48, %div3A : i32
      %jit3A_49 = arith.constant 8 : i32
      %eq3A = arith.constant 0 : i32
      %eq3A_50 = arith.cmpi eq, %jit3A_49, %eq3A : i32
      %jit3A_51 = arith.constant 1 : i32
      %select_n3A_52 = arith.select %eq3A_50, %jit3A_51, %jit3A_49 : i32
      %rem3A_53 = arith.remsi %scan3A_31, %select_n3A_52 : i32
      %ne3A_54 = arith.constant 0 : i32
      %ne3A_55 = arith.cmpi ne, %rem3A_53, %ne3A_54 : i32
      %lt3A = arith.constant 0 : i32
      %lt3A_56 = arith.cmpi slt, %rem3A_53, %lt3A : i32
      %lt3A_57 = arith.constant 0 : i32
      %lt3A_58 = arith.cmpi slt, %select_n3A_52, %lt3A_57 : i32
      %ne3A_59 = arith.xori %lt3A_56, %lt3A_58 : i1
      %and3A_60 = arith.andi %ne3A_59, %ne3A_55 : i1
      %add3A_61 = arith.addi %rem3A_53, %select_n3A_52 : i32
      %select_n3A_62 = arith.select %and3A_60, %add3A_61, %rem3A_53 : i32
      %mul3A_63 = arith.constant 16 : i32
      %mul3A_64 = arith.muli %select_n3A_62, %mul3A_63 : i32
      %swap3A = arith.index_cast %select_n3A : i32 to index
      %swap3A_65 = arith.index_cast %mul3A_64 : i32 to index
      %swap3A_66 = tpu.vector_load %arg14[%swap3A, %swap3A_65] {strides = array<i32>} : memref<128x128xf32, #tpu.memory_space<vmem>>, vector<16xf32>,
      tpu.vector_store %arg14[%swap3A, %swap3A_65], %broadcast_in_dim3A_32 {strides = array<i32>} : memref<128x128xf32, #tpu.memory_space<vmem>>, vector<16xf32>,
    }
    %scan3A_11 = arith.constant 64 : i32
    %mul3A_12 = arith.constant 640 : i32
    %mul3A_13 = arith.muli %arg1, %mul3A_12 : i32
    %min3A = arith.constant 9360 : i32
    %min3A_14 = arith.minsi %mul3A_13, %min3A : i32
    %multiple_of3A = tpu.assume_multiple %min3A_14, 16 : i32
    %add3A_15 = arith.constant 0 : i32
    %add3A_16 = arith.addi %multiple_of3A, %add3A_15 : i32
    "tpu.region"() ({
      %run_scoped3A = tpu.sem_alloc : memref<!tpu.dma_semaphore, #tpu.memory_space<semaphore_mem>>
      %dma_start3A = arith.constant 0 : i32
      %dma_start3A_31 = tpu.memref_slice %arg15[%add3A_16, %dma_start3A] : memref<10000x128xf32, #tpu.memory_space<vmem_shared>> -> memref<128x128xf32, #tpu.memory_space<vmem_shared>>
      %dma_start3A_32 = arith.constant 0 : i32
      %dma_start3A_33 = tpu.memref_slice %arg15[%add3A_16, %dma_start3A_32] : memref<10000x128xf32, #tpu.memory_space<vmem_shared>> -> memref<128x128xf32, #tpu.memory_space<vmem_shared>>
      tpu.enqueue_dma source(%arg14 : memref<128x128xf32, #tpu.memory_space<vmem>>) target(%dma_start3A_33 : memref<128x128xf32, #tpu.memory_space<vmem_shared>>) target_semaphore(%run_scoped3A : memref<!tpu.dma_semaphore, #tpu.memory_space<semaphore_mem>>)
      %dma_wait3A = arith.constant 0 : i32
      %dma_wait3A_34 = tpu.memref_slice %arg15[%add3A_16, %dma_wait3A] : memref<10000x128xf32, #tpu.memory_space<vmem_shared>> -> memref<128x128xf32, #tpu.memory_space<vmem_shared>>
      %dma_wait3A_35 = arith.constant 0 : i32
      %dma_wait3A_36 = tpu.memref_slice %arg15[%add3A_16, %dma_wait3A_35] : memref<10000x128xf32, #tpu.memory_space<vmem_shared>> -> memref<128x128xf32, #tpu.memory_space<vmem_shared>>
      tpu.wait_dma2 semaphore(%run_scoped3A : memref<!tpu.dma_semaphore, #tpu.memory_space<semaphore_mem>>) src(%arg14 : memref<128x128xf32, #tpu.memory_space<vmem>>) dst(%dma_wait3A_36 : memref<128x128xf32, #tpu.memory_space<vmem_shared>>)
      tpu.yield
    }) : () -> ()
    %add3A_17 = arith.constant 128 : i32
    %add3A_18 = arith.addi %multiple_of3A, %add3A_17 : i32
    "tpu.region"() ({
      %run_scoped3A = tpu.sem_alloc : memref<!tpu.dma_semaphore, #tpu.memory_space<semaphore_mem>>
      %dma_start3A = arith.constant 0 : i32
      %dma_start3A_31 = tpu.memref_slice %arg15[%add3A_18, %dma_start3A] : memref<10000x128xf32, #tpu.memory_space<vmem_shared>> -> memref<128x128xf32, #tpu.memory_space<vmem_shared>>
      %dma_start3A_32 = arith.constant 0 : i32
      %dma_start3A_33 = tpu.memref_slice %arg15[%add3A_18, %dma_start3A_32] : memref<10000x128xf32, #tpu.memory_space<vmem_shared>> -> memref<128x128xf32, #tpu.memory_space<vmem_shared>>
      tpu.enqueue_dma source(%arg14 : memref<128x128xf32, #tpu.memory_space<vmem>>) target(%dma_start3A_33 : memref<128x128xf32, #tpu.memory_space<vmem_shared>>) target_semaphore(%run_scoped3A : memref<!tpu.dma_semaphore, #tpu.memory_space<semaphore_mem>>)
      %dma_wait3A = arith.constant 0 : i32
      %dma_wait3A_34 = tpu.memref_slice %arg15[%add3A_18, %dma_wait3A] : memref<10000x128xf32, #tpu.memory_space<vmem_shared>> -> memref<128x128xf32, #tpu.memory_space<vmem_shared>>
      %dma_wait3A_35 = arith.constant 0 : i32
      %dma_wait3A_36 = tpu.memref_slice %arg15[%add3A_18, %dma_wait3A_35] : memref<10000x128xf32, #tpu.memory_space<vmem_shared>> -> memref<128x128xf32, #tpu.memory_space<vmem_shared>>
      tpu.wait_dma2 semaphore(%run_scoped3A : memref<!tpu.dma_semaphore, #tpu.memory_space<semaphore_mem>>) src(%arg14 : memref<128x128xf32, #tpu.memory_space<vmem>>) dst(%dma_wait3A_36 : memref<128x128xf32, #tpu.memory_space<vmem_shared>>)
      tpu.yield
    }) : () -> ()
    %add3A_19 = arith.constant 256 : i32
    %add3A_20 = arith.addi %multiple_of3A, %add3A_19 : i32
    "tpu.region"() ({
      %run_scoped3A = tpu.sem_alloc : memref<!tpu.dma_semaphore, #tpu.memory_space<semaphore_mem>>
      %dma_start3A = arith.constant 0 : i32
      %dma_start3A_31 = tpu.memref_slice %arg15[%add3A_20, %dma_start3A] : memref<10000x128xf32, #tpu.memory_space<vmem_shared>> -> memref<128x128xf32, #tpu.memory_space<vmem_shared>>
      %dma_start3A_32 = arith.constant 0 : i32
      %dma_start3A_33 = tpu.memref_slice %arg15[%add3A_20, %dma_start3A_32] : memref<10000x128xf32, #tpu.memory_space<vmem_shared>> -> memref<128x128xf32, #tpu.memory_space<vmem_shared>>
      tpu.enqueue_dma source(%arg14 : memref<128x128xf32, #tpu.memory_space<vmem>>) target(%dma_start3A_33 : memref<128x128xf32, #tpu.memory_space<vmem_shared>>) target_semaphore(%run_scoped3A : memref<!tpu.dma_semaphore, #tpu.memory_space<semaphore_mem>>)
      %dma_wait3A = arith.constant 0 : i32
      %dma_wait3A_34 = tpu.memref_slice %arg15[%add3A_20, %dma_wait3A] : memref<10000x128xf32, #tpu.memory_space<vmem_shared>> -> memref<128x128xf32, #tpu.memory_space<vmem_shared>>
      %dma_wait3A_35 = arith.constant 0 : i32
      %dma_wait3A_36 = tpu.memref_slice %arg15[%add3A_20, %dma_wait3A_35] : memref<10000x128xf32, #tpu.memory_space<vmem_shared>> -> memref<128x128xf32, #tpu.memory_space<vmem_shared>>
      tpu.wait_dma2 semaphore(%run_scoped3A : memref<!tpu.dma_semaphore, #tpu.memory_space<semaphore_mem>>) src(%arg14 : memref<128x128xf32, #tpu.memory_space<vmem>>) dst(%dma_wait3A_36 : memref<128x128xf32, #tpu.memory_space<vmem_shared>>)
      tpu.yield
    }) : () -> ()
    %add3A_21 = arith.constant 384 : i32
    %add3A_22 = arith.addi %multiple_of3A, %add3A_21 : i32
    "tpu.region"() ({
      %run_scoped3A = tpu.sem_alloc : memref<!tpu.dma_semaphore, #tpu.memory_space<semaphore_mem>>
      %dma_start3A = arith.constant 0 : i32
      %dma_start3A_31 = tpu.memref_slice %arg15[%add3A_22, %dma_start3A] : memref<10000x128xf32, #tpu.memory_space<vmem_shared>> -> memref<128x128xf32, #tpu.memory_space<vmem_shared>>
      %dma_start3A_32 = arith.constant 0 : i32
      %dma_start3A_33 = tpu.memref_slice %arg15[%add3A_22, %dma_start3A_32] : memref<10000x128xf32, #tpu.memory_space<vmem_shared>> -> memref<128x128xf32, #tpu.memory_space<vmem_shared>>
      tpu.enqueue_dma source(%arg14 : memref<128x128xf32, #tpu.memory_space<vmem>>) target(%dma_start3A_33 : memref<128x128xf32, #tpu.memory_space<vmem_shared>>) target_semaphore(%run_scoped3A : memref<!tpu.dma_semaphore, #tpu.memory_space<semaphore_mem>>)
      %dma_wait3A = arith.constant 0 : i32
      %dma_wait3A_34 = tpu.memref_slice %arg15[%add3A_22, %dma_wait3A] : memref<10000x128xf32, #tpu.memory_space<vmem_shared>> -> memref<128x128xf32, #tpu.memory_space<vmem_shared>>
      %dma_wait3A_35 = arith.constant 0 : i32
      %dma_wait3A_36 = tpu.memref_slice %arg15[%add3A_22, %dma_wait3A_35] : memref<10000x128xf32, #tpu.memory_space<vmem_shared>> -> memref<128x128xf32, #tpu.memory_space<vmem_shared>>
      tpu.wait_dma2 semaphore(%run_scoped3A : memref<!tpu.dma_semaphore, #tpu.memory_space<semaphore_mem>>) src(%arg14 : memref<128x128xf32, #tpu.memory_space<vmem>>) dst(%dma_wait3A_36 : memref<128x128xf32, #tpu.memory_space<vmem_shared>>)
      tpu.yield
    }) : () -> ()
    %add3A_23 = arith.constant 512 : i32
    %add3A_24 = arith.addi %multiple_of3A, %add3A_23 : i32
    "tpu.region"() ({
      %run_scoped3A = tpu.sem_alloc : memref<!tpu.dma_semaphore, #tpu.memory_space<semaphore_mem>>
      %dma_start3A = arith.constant 0 : i32
      %dma_start3A_31 = tpu.memref_slice %arg15[%add3A_24, %dma_start3A] : memref<10000x128xf32, #tpu.memory_space<vmem_shared>> -> memref<128x128xf32, #tpu.memory_space<vmem_shared>>
      %dma_start3A_32 = arith.constant 0 : i32
      %dma_start3A_33 = tpu.memref_slice %arg15[%add3A_24, %dma_start3A_32] : memref<10000x128xf32, #tpu.memory_space<vmem_shared>> -> memref<128x128xf32, #tpu.memory_space<vmem_shared>>
      tpu.enqueue_dma source(%arg14 : memref<128x128xf32, #tpu.memory_space<vmem>>) target(%dma_start3A_33 : memref<128x128xf32, #tpu.memory_space<vmem_shared>>) target_semaphore(%run_scoped3A : memref<!tpu.dma_semaphore, #tpu.memory_space<semaphore_mem>>)
      %dma_wait3A = arith.constant 0 : i32
      %dma_wait3A_34 = tpu.memref_slice %arg15[%add3A_24, %dma_wait3A] : memref<10000x128xf32, #tpu.memory_space<vmem_shared>> -> memref<128x128xf32, #tpu.memory_space<vmem_shared>>
      %dma_wait3A_35 = arith.constant 0 : i32
      %dma_wait3A_36 = tpu.memref_slice %arg15[%add3A_24, %dma_wait3A_35] : memref<10000x128xf32, #tpu.memory_space<vmem_shared>> -> memref<128x128xf32, #tpu.memory_space<vmem_shared>>
      tpu.wait_dma2 semaphore(%run_scoped3A : memref<!tpu.dma_semaphore, #tpu.memory_space<semaphore_mem>>) src(%arg14 : memref<128x128xf32, #tpu.memory_space<vmem>>) dst(%dma_wait3A_36 : memref<128x128xf32, #tpu.memory_space<vmem_shared>>)
      tpu.yield
    }) : () -> ()
    %barrier3A = arith.constant 0 : index
    tpu.barrier barrier_id(%barrier3A)
    %scan3A_25 = arith.constant 0 : i32
    %scan3A_26 = arith.constant 5 : i32
    %scan3A_27 = arith.addi %scan3A_25, %scan3A_26 : i32
    %scan3A_28 = arith.constant 1 : i32
    scf.for %scan3A_31 = %scan3A_25 to %scan3A_27 step %scan3A_28  : i32 {
      %mul3A_32 = arith.constant 16 : i32
      %mul3A_33 = arith.muli %scan3A_31, %mul3A_32 : i32
      %add3A_34 = arith.addi %mul3A_2, %mul3A_33 : i32
      "tpu.region"() ({
        %run_scoped3A = tpu.sem_alloc : memref<!tpu.dma_semaphore, #tpu.memory_space<semaphore_mem>>
        %dma_start3A = arith.constant 0 : i32
        %dma_start3A_40 = tpu.memref_slice %arg3[%add3A_34, %dma_start3A] : memref<2560x128xi32, #tpu.memory_space<hbm>> -> memref<16x128xi32, #tpu.memory_space<hbm>>
        %dma_start3A_41 = arith.constant 0 : i32
        %dma_start3A_42 = tpu.memref_slice %arg3[%add3A_34, %dma_start3A_41] : memref<2560x128xi32, #tpu.memory_space<hbm>> -> memref<16x128xi32, #tpu.memory_space<hbm>>
        tpu.enqueue_dma source(%dma_start3A_42 : memref<16x128xi32, #tpu.memory_space<hbm>>) target(%arg10 : memref<16x128xi32, #tpu.memory_space<vmem>>) target_semaphore(%run_scoped3A : memref<!tpu.dma_semaphore, #tpu.memory_space<semaphore_mem>>)
        %dma_wait3A = arith.constant 0 : i32
        %dma_wait3A_43 = tpu.memref_slice %arg3[%add3A_34, %dma_wait3A] : memref<2560x128xi32, #tpu.memory_space<hbm>> -> memref<16x128xi32, #tpu.memory_space<hbm>>
        %dma_wait3A_44 = arith.constant 0 : i32
        %dma_wait3A_45 = tpu.memref_slice %arg3[%add3A_34, %dma_wait3A_44] : memref<2560x128xi32, #tpu.memory_space<hbm>> -> memref<16x128xi32, #tpu.memory_space<hbm>>
        tpu.wait_dma2 semaphore(%run_scoped3A : memref<!tpu.dma_semaphore, #tpu.memory_space<semaphore_mem>>) src(%dma_wait3A_45 : memref<16x128xi32, #tpu.memory_space<hbm>>) dst(%arg10 : memref<16x128xi32, #tpu.memory_space<vmem>>)
        tpu.yield
      }) : () -> ()
      "tpu.region"() ({
        %run_scoped3A = tpu.sem_alloc : memref<!tpu.dma_semaphore, #tpu.memory_space<semaphore_mem>>
        %dma_start3A = arith.constant 0 : i32
        %dma_start3A_40 = tpu.memref_slice %arg4[%add3A_34, %dma_start3A] : memref<2560x128xi32, #tpu.memory_space<hbm>> -> memref<16x128xi32, #tpu.memory_space<hbm>>
        %dma_start3A_41 = arith.constant 0 : i32
        %dma_start3A_42 = tpu.memref_slice %arg4[%add3A_34, %dma_start3A_41] : memref<2560x128xi32, #tpu.memory_space<hbm>> -> memref<16x128xi32, #tpu.memory_space<hbm>>
        tpu.enqueue_dma source(%dma_start3A_42 : memref<16x128xi32, #tpu.memory_space<hbm>>) target(%arg11 : memref<16x128xi32, #tpu.memory_space<vmem>>) target_semaphore(%run_scoped3A : memref<!tpu.dma_semaphore, #tpu.memory_space<semaphore_mem>>)
        %dma_wait3A = arith.constant 0 : i32
        %dma_wait3A_43 = tpu.memref_slice %arg4[%add3A_34, %dma_wait3A] : memref<2560x128xi32, #tpu.memory_space<hbm>> -> memref<16x128xi32, #tpu.memory_space<hbm>>
        %dma_wait3A_44 = arith.constant 0 : i32
        %dma_wait3A_45 = tpu.memref_slice %arg4[%add3A_34, %dma_wait3A_44] : memref<2560x128xi32, #tpu.memory_space<hbm>> -> memref<16x128xi32, #tpu.memory_space<hbm>>
        tpu.wait_dma2 semaphore(%run_scoped3A : memref<!tpu.dma_semaphore, #tpu.memory_space<semaphore_mem>>) src(%dma_wait3A_45 : memref<16x128xi32, #tpu.memory_space<hbm>>) dst(%arg11 : memref<16x128xi32, #tpu.memory_space<vmem>>)
        tpu.yield
      }) : () -> ()
      "tpu.region"() ({
        %run_scoped3A = tpu.sem_alloc : memref<!tpu.dma_semaphore, #tpu.memory_space<semaphore_mem>>
        %dma_start3A = arith.constant 0 : i32
        %dma_start3A_40 = tpu.memref_slice %arg5[%add3A_34, %dma_start3A] : memref<2560x128xf32, #tpu.memory_space<hbm>> -> memref<16x128xf32, #tpu.memory_space<hbm>>
        %dma_start3A_41 = arith.constant 0 : i32
        %dma_start3A_42 = tpu.memref_slice %arg5[%add3A_34, %dma_start3A_41] : memref<2560x128xf32, #tpu.memory_space<hbm>> -> memref<16x128xf32, #tpu.memory_space<hbm>>
        tpu.enqueue_dma source(%dma_start3A_42 : memref<16x128xf32, #tpu.memory_space<hbm>>) target(%arg12 : memref<16x128xf32, #tpu.memory_space<vmem>>) target_semaphore(%run_scoped3A : memref<!tpu.dma_semaphore, #tpu.memory_space<semaphore_mem>>)
        %dma_wait3A = arith.constant 0 : i32
        %dma_wait3A_43 = tpu.memref_slice %arg5[%add3A_34, %dma_wait3A] : memref<2560x128xf32, #tpu.memory_space<hbm>> -> memref<16x128xf32, #tpu.memory_space<hbm>>
        %dma_wait3A_44 = arith.constant 0 : i32
        %dma_wait3A_45 = tpu.memref_slice %arg5[%add3A_34, %dma_wait3A_44] : memref<2560x128xf32, #tpu.memory_space<hbm>> -> memref<16x128xf32, #tpu.memory_space<hbm>>
        tpu.wait_dma2 semaphore(%run_scoped3A : memref<!tpu.dma_semaphore, #tpu.memory_space<semaphore_mem>>) src(%dma_wait3A_45 : memref<16x128xf32, #tpu.memory_space<hbm>>) dst(%arg12 : memref<16x128xf32, #tpu.memory_space<vmem>>)
        tpu.yield
      }) : () -> ()
      %scan3A_35 = arith.constant 0 : i32
      %scan3A_36 = arith.constant 16 : i32
      %scan3A_37 = arith.addi %scan3A_35, %scan3A_36 : i32
      %scan3A_38 = arith.constant 1 : i32
      scf.for %scan3A_40 = %scan3A_35 to %scan3A_37 step %scan3A_38  : i32 {
        %add3A_41 = arith.addi %add3A_34, %scan3A_40 : i32
        %lt3A = arith.constant 2500 : i32
        %lt3A_42 = arith.cmpi slt, %add3A_41, %lt3A : i32
        %convert_element_type3A = arith.extui %lt3A_42 : i1 to i32
        %cond3A = arith.constant 0 : i32
        %cond3A_43 = arith.cmpi ne, %convert_element_type3A, %cond3A : i32
        scf.if %cond3A_43 {
          %dma_start3A = arith.constant 0 : i32
          %dma_start3A_44 = tpu.memref_slice %arg10[%scan3A_40, %dma_start3A] : memref<16x128xi32, #tpu.memory_space<vmem>> -> memref<1x128xi32, #tpu.memory_space<vmem>>
          %dma_start3A_45 = tpu.memref_squeeze %dma_start3A_44 : memref<1x128xi32, #tpu.memory_space<vmem>> -> memref<128xi32, #tpu.memory_space<vmem>>
          %dma_start3A_46 = arith.constant 0 : i32
          %dma_start3A_47 = arith.constant 0 : i32
          %dma_start3A_48 = tpu.memref_slice %arg2[%dma_start3A_46, %dma_start3A_47] : memref<10000x128xf32, #tpu.memory_space<hbm>> -> memref<10000x128xf32, #tpu.memory_space<hbm>>
          tpu.enqueue_indirect_dma source(%dma_start3A_48 : memref<10000x128xf32, #tpu.memory_space<hbm>>) target(%arg14 : memref<128x128xf32, #tpu.memory_space<vmem>>) offsets(%dma_start3A_45 : memref<128xi32, #tpu.memory_space<vmem>>) semaphore(%arg16 : memref<!tpu.dma_semaphore, #tpu.memory_space<semaphore_mem>>)
          %scan3A_49 = arith.constant 0 : i32
          %scan3A_50 = arith.constant 8 : i32
          %scan3A_51 = arith.addi %scan3A_49, %scan3A_50 : i32
          %scan3A_52 = arith.constant 1 : i32
          scf.for %scan3A_64 = %scan3A_49 to %scan3A_51 step %scan3A_52  : i32 {
            %mul3A_65 = arith.constant 16 : i32
            %mul3A_66 = arith.muli %scan3A_64, %mul3A_65 : i32
            %get3A = arith.index_cast %scan3A_40 : i32 to index
            %get3A_67 = arith.index_cast %mul3A_66 : i32 to index
            %get3A_68 = tpu.vector_load %arg11[%get3A, %get3A_67] {strides = array<i32>} : memref<16x128xi32, #tpu.memory_space<vmem>>, vector<16xi32>,
            %gather3A = tpu.vector_load_idx %arg8[%get3A_68] : memref<10240xf32, #tpu.memory_space<vmem>>[vector<16xi32>], vector<16xf32>,
            %get3A_69 = arith.index_cast %scan3A_40 : i32 to index
            %get3A_70 = arith.index_cast %mul3A_66 : i32 to index
            %get3A_71 = tpu.vector_load %arg12[%get3A_69, %get3A_70] {strides = array<i32>} : memref<16x128xf32, #tpu.memory_space<vmem>>, vector<16xf32>,
            %div3A = arith.divf %get3A_71, %gather3A : vector<16xf32>
            %swap3A = arith.index_cast %mul3A_66 : i32 to index
            %swap3A_72 = tpu.vector_load %arg13[%swap3A] {strides = array<i32>} : memref<128xf32, #tpu.memory_space<vmem>>, vector<16xf32>,
            tpu.vector_store %arg13[%swap3A], %div3A {strides = array<i32>} : memref<128xf32, #tpu.memory_space<vmem>>, vector<16xf32>,
          }
          %scan3A_53 = arith.constant 8 : i32
          %dma_wait3A = arith.constant 0 : i32
          %dma_wait3A_54 = tpu.memref_slice %arg10[%scan3A_40, %dma_wait3A] : memref<16x128xi32, #tpu.memory_space<vmem>> -> memref<1x128xi32, #tpu.memory_space<vmem>>
          %dma_wait3A_55 = tpu.memref_squeeze %dma_wait3A_54 : memref<1x128xi32, #tpu.memory_space<vmem>> -> memref<128xi32, #tpu.memory_space<vmem>>
          %dma_wait3A_56 = arith.constant 0 : i32
          %dma_wait3A_57 = arith.constant 0 : i32
          %dma_wait3A_58 = tpu.memref_slice %arg2[%dma_wait3A_56, %dma_wait3A_57] : memref<10000x128xf32, #tpu.memory_space<hbm>> -> memref<10000x128xf32, #tpu.memory_space<hbm>>
          tpu.wait_indirect_dma semaphore(%arg16 : memref<!tpu.dma_semaphore, #tpu.memory_space<semaphore_mem>>) src(%dma_wait3A_58 : memref<10000x128xf32, #tpu.memory_space<hbm>>) dst(%arg14 : memref<128x128xf32, #tpu.memory_space<vmem>>)
          %scan3A_59 = arith.constant 0 : i32
          %scan3A_60 = arith.constant 32 : i32
          %scan3A_61 = arith.addi %scan3A_59, %scan3A_60 : i32
          %scan3A_62 = arith.constant 1 : i32
          scf.for %scan3A_64 = %scan3A_59 to %scan3A_61 step %scan3A_62  : i32 {
            %mul3A_65 = arith.constant 4 : i32
            %mul3A_66 = arith.muli %scan3A_64, %mul3A_65 : i32
            %add3A_67 = arith.constant 0 : i32
            %add3A_68 = arith.addi %mul3A_66, %add3A_67 : i32
            %broadcast_in_dim3A = vector.broadcast %add3A_68 : i32 to vector<16xi32>
            %gather3A = tpu.vector_load_idx %arg13[%broadcast_in_dim3A] : memref<128xf32, #tpu.memory_space<vmem>>[vector<16xi32>], vector<16xf32>,
            %get3A = arith.index_cast %add3A_68 : i32 to index
            %get3A_69 = arith.constant 0 : index
            %get3A_70 = tpu.vector_load %arg14[%get3A, %get3A_69] {strides = array<i32>} : memref<128x128xf32, #tpu.memory_space<vmem>>, vector<16xf32>,
            %mul3A_71 = arith.mulf %get3A_70, %gather3A : vector<16xf32>
            %swap3A = arith.index_cast %add3A_68 : i32 to index
            %swap3A_72 = arith.constant 0 : index
            %swap3A_73 = tpu.vector_load %arg14[%swap3A, %swap3A_72] {strides = array<i32>} : memref<128x128xf32, #tpu.memory_space<vmem>>, vector<16xf32>,
            tpu.vector_store %arg14[%swap3A, %swap3A_72], %mul3A_71 {strides = array<i32>} : memref<128x128xf32, #tpu.memory_space<vmem>>, vector<16xf32>,
            %get3A_74 = arith.index_cast %add3A_68 : i32 to index
            %get3A_75 = arith.constant 16 : index
            %get3A_76 = tpu.vector_load %arg14[%get3A_74, %get3A_75] {strides = array<i32>} : memref<128x128xf32, #tpu.memory_space<vmem>>, vector<16xf32>,
            %mul3A_77 = arith.mulf %get3A_76, %gather3A : vector<16xf32>
            %swap3A_78 = arith.index_cast %add3A_68 : i32 to index
            %swap3A_79 = arith.constant 16 : index
            %swap3A_80 = tpu.vector_load %arg14[%swap3A_78, %swap3A_79] {strides = array<i32>} : memref<128x128xf32, #tpu.memory_space<vmem>>, vector<16xf32>,
            tpu.vector_store %arg14[%swap3A_78, %swap3A_79], %mul3A_77 {strides = array<i32>} : memref<128x128xf32, #tpu.memory_space<vmem>>, vector<16xf32>,
            %get3A_81 = arith.index_cast %add3A_68 : i32 to index
            %get3A_82 = arith.constant 32 : index
            %get3A_83 = tpu.vector_load %arg14[%get3A_81, %get3A_82] {strides = array<i32>} : memref<128x128xf32, #tpu.memory_space<vmem>>, vector<16xf32>,
            %mul3A_84 = arith.mulf %get3A_83, %gather3A : vector<16xf32>
            %swap3A_85 = arith.index_cast %add3A_68 : i32 to index
            %swap3A_86 = arith.constant 32 : index
            %swap3A_87 = tpu.vector_load %arg14[%swap3A_85, %swap3A_86] {strides = array<i32>} : memref<128x128xf32, #tpu.memory_space<vmem>>, vector<16xf32>,
            tpu.vector_store %arg14[%swap3A_85, %swap3A_86], %mul3A_84 {strides = array<i32>} : memref<128x128xf32, #tpu.memory_space<vmem>>, vector<16xf32>,
            %get3A_88 = arith.index_cast %add3A_68 : i32 to index
            %get3A_89 = arith.constant 48 : index
            %get3A_90 = tpu.vector_load %arg14[%get3A_88, %get3A_89] {strides = array<i32>} : memref<128x128xf32, #tpu.memory_space<vmem>>, vector<16xf32>,
            %mul3A_91 = arith.mulf %get3A_90, %gather3A : vector<16xf32>
            %swap3A_92 = arith.index_cast %add3A_68 : i32 to index
            %swap3A_93 = arith.constant 48 : index
            %swap3A_94 = tpu.vector_load %arg14[%swap3A_92, %swap3A_93] {strides = array<i32>} : memref<128x128xf32, #tpu.memory_space<vmem>>, vector<16xf32>,
            tpu.vector_store %arg14[%swap3A_92, %swap3A_93], %mul3A_91 {strides = array<i32>} : memref<128x128xf32, #tpu.memory_space<vmem>>, vector<16xf32>,
            %get3A_95 = arith.index_cast %add3A_68 : i32 to index
            %get3A_96 = arith.constant 64 : index
            %get3A_97 = tpu.vector_load %arg14[%get3A_95, %get3A_96] {strides = array<i32>} : memref<128x128xf32, #tpu.memory_space<vmem>>, vector<16xf32>,
            %mul3A_98 = arith.mulf %get3A_97, %gather3A : vector<16xf32>
            %swap3A_99 = arith.index_cast %add3A_68 : i32 to index
            %swap3A_100 = arith.constant 64 : index
            %swap3A_101 = tpu.vector_load %arg14[%swap3A_99, %swap3A_100] {strides = array<i32>} : memref<128x128xf32, #tpu.memory_space<vmem>>, vector<16xf32>,
            tpu.vector_store %arg14[%swap3A_99, %swap3A_100], %mul3A_98 {strides = array<i32>} : memref<128x128xf32, #tpu.memory_space<vmem>>, vector<16xf32>,
            %get3A_102 = arith.index_cast %add3A_68 : i32 to index
            %get3A_103 = arith.constant 80 : index
            %get3A_104 = tpu.vector_load %arg14[%get3A_102, %get3A_103] {strides = array<i32>} : memref<128x128xf32, #tpu.memory_space<vmem>>, vector<16xf32>,
            %mul3A_105 = arith.mulf %get3A_104, %gather3A : vector<16xf32>
            %swap3A_106 = arith.index_cast %add3A_68 : i32 to index
            %swap3A_107 = arith.constant 80 : index
            %swap3A_108 = tpu.vector_load %arg14[%swap3A_106, %swap3A_107] {strides = array<i32>} : memref<128x128xf32, #tpu.memory_space<vmem>>, vector<16xf32>,
            tpu.vector_store %arg14[%swap3A_106, %swap3A_107], %mul3A_105 {strides = array<i32>} : memref<128x128xf32, #tpu.memory_space<vmem>>, vector<16xf32>,
            %get3A_109 = arith.index_cast %add3A_68 : i32 to index
            %get3A_110 = arith.constant 96 : index
            %get3A_111 = tpu.vector_load %arg14[%get3A_109, %get3A_110] {strides = array<i32>} : memref<128x128xf32, #tpu.memory_space<vmem>>, vector<16xf32>,
            %mul3A_112 = arith.mulf %get3A_111, %gather3A : vector<16xf32>
            %swap3A_113 = arith.index_cast %add3A_68 : i32 to index
            %swap3A_114 = arith.constant 96 : index
            %swap3A_115 = tpu.vector_load %arg14[%swap3A_113, %swap3A_114] {strides = array<i32>} : memref<128x128xf32, #tpu.memory_space<vmem>>, vector<16xf32>,
            tpu.vector_store %arg14[%swap3A_113, %swap3A_114], %mul3A_112 {strides = array<i32>} : memref<128x128xf32, #tpu.memory_space<vmem>>, vector<16xf32>,
            %get3A_116 = arith.index_cast %add3A_68 : i32 to index
            %get3A_117 = arith.constant 112 : index
            %get3A_118 = tpu.vector_load %arg14[%get3A_116, %get3A_117] {strides = array<i32>} : memref<128x128xf32, #tpu.memory_space<vmem>>, vector<16xf32>,
            %mul3A_119 = arith.mulf %get3A_118, %gather3A : vector<16xf32>
            %swap3A_120 = arith.index_cast %add3A_68 : i32 to index
            %swap3A_121 = arith.constant 112 : index
            %swap3A_122 = tpu.vector_load %arg14[%swap3A_120, %swap3A_121] {strides = array<i32>} : memref<128x128xf32, #tpu.memory_space<vmem>>, vector<16xf32>,
            tpu.vector_store %arg14[%swap3A_120, %swap3A_121], %mul3A_119 {strides = array<i32>} : memref<128x128xf32, #tpu.memory_space<vmem>>, vector<16xf32>,
            %mul3A_123 = arith.constant 4 : i32
            %mul3A_124 = arith.muli %scan3A_64, %mul3A_123 : i32
            %add3A_125 = arith.constant 1 : i32
            %add3A_126 = arith.addi %mul3A_124, %add3A_125 : i32
            %broadcast_in_dim3A_127 = vector.broadcast %add3A_126 : i32 to vector<16xi32>
            %gather3A_128 = tpu.vector_load_idx %arg13[%broadcast_in_dim3A_127] : memref<128xf32, #tpu.memory_space<vmem>>[vector<16xi32>], vector<16xf32>,
            %get3A_129 = arith.index_cast %add3A_126 : i32 to index
            %get3A_130 = arith.constant 0 : index
            %get3A_131 = tpu.vector_load %arg14[%get3A_129, %get3A_130] {strides = array<i32>} : memref<128x128xf32, #tpu.memory_space<vmem>>, vector<16xf32>,
            %mul3A_132 = arith.mulf %get3A_131, %gather3A_128 : vector<16xf32>
            %swap3A_133 = arith.index_cast %add3A_126 : i32 to index
            %swap3A_134 = arith.constant 0 : index
            %swap3A_135 = tpu.vector_load %arg14[%swap3A_133, %swap3A_134] {strides = array<i32>} : memref<128x128xf32, #tpu.memory_space<vmem>>, vector<16xf32>,
            tpu.vector_store %arg14[%swap3A_133, %swap3A_134], %mul3A_132 {strides = array<i32>} : memref<128x128xf32, #tpu.memory_space<vmem>>, vector<16xf32>,
            %get3A_136 = arith.index_cast %add3A_126 : i32 to index
            %get3A_137 = arith.constant 16 : index
            %get3A_138 = tpu.vector_load %arg14[%get3A_136, %get3A_137] {strides = array<i32>} : memref<128x128xf32, #tpu.memory_space<vmem>>, vector<16xf32>,
            %mul3A_139 = arith.mulf %get3A_138, %gather3A_128 : vector<16xf32>
            %swap3A_140 = arith.index_cast %add3A_126 : i32 to index
            %swap3A_141 = arith.constant 16 : index
            %swap3A_142 = tpu.vector_load %arg14[%swap3A_140, %swap3A_141] {strides = array<i32>} : memref<128x128xf32, #tpu.memory_space<vmem>>, vector<16xf32>,
            tpu.vector_store %arg14[%swap3A_140, %swap3A_141], %mul3A_139 {strides = array<i32>} : memref<128x128xf32, #tpu.memory_space<vmem>>, vector<16xf32>,
            %get3A_143 = arith.index_cast %add3A_126 : i32 to index
            %get3A_144 = arith.constant 32 : index
            %get3A_145 = tpu.vector_load %arg14[%get3A_143, %get3A_144] {strides = array<i32>} : memref<128x128xf32, #tpu.memory_space<vmem>>, vector<16xf32>,
            %mul3A_146 = arith.mulf %get3A_145, %gather3A_128 : vector<16xf32>
            %swap3A_147 = arith.index_cast %add3A_126 : i32 to index
            %swap3A_148 = arith.constant 32 : index
            %swap3A_149 = tpu.vector_load %arg14[%swap3A_147, %swap3A_148] {strides = array<i32>} : memref<128x128xf32, #tpu.memory_space<vmem>>, vector<16xf32>,
            tpu.vector_store %arg14[%swap3A_147, %swap3A_148], %mul3A_146 {strides = array<i32>} : memref<128x128xf32, #tpu.memory_space<vmem>>, vector<16xf32>,
            %get3A_150 = arith.index_cast %add3A_126 : i32 to index
            %get3A_151 = arith.constant 48 : index
            %get3A_152 = tpu.vector_load %arg14[%get3A_150, %get3A_151] {strides = array<i32>} : memref<128x128xf32, #tpu.memory_space<vmem>>, vector<16xf32>,
            %mul3A_153 = arith.mulf %get3A_152, %gather3A_128 : vector<16xf32>
            %swap3A_154 = arith.index_cast %add3A_126 : i32 to index
            %swap3A_155 = arith.constant 48 : index
            %swap3A_156 = tpu.vector_load %arg14[%swap3A_154, %swap3A_155] {strides = array<i32>} : memref<128x128xf32, #tpu.memory_space<vmem>>, vector<16xf32>,
            tpu.vector_store %arg14[%swap3A_154, %swap3A_155], %mul3A_153 {strides = array<i32>} : memref<128x128xf32, #tpu.memory_space<vmem>>, vector<16xf32>,
            %get3A_157 = arith.index_cast %add3A_126 : i32 to index
            %get3A_158 = arith.constant 64 : index
            %get3A_159 = tpu.vector_load %arg14[%get3A_157, %get3A_158] {strides = array<i32>} : memref<128x128xf32, #tpu.memory_space<vmem>>, vector<16xf32>,
            %mul3A_160 = arith.mulf %get3A_159, %gather3A_128 : vector<16xf32>
            %swap3A_161 = arith.index_cast %add3A_126 : i32 to index
            %swap3A_162 = arith.constant 64 : index
            %swap3A_163 = tpu.vector_load %arg14[%swap3A_161, %swap3A_162] {strides = array<i32>} : memref<128x128xf32, #tpu.memory_space<vmem>>, vector<16xf32>,
            tpu.vector_store %arg14[%swap3A_161, %swap3A_162], %mul3A_160 {strides = array<i32>} : memref<128x128xf32, #tpu.memory_space<vmem>>, vector<16xf32>,
            %get3A_164 = arith.index_cast %add3A_126 : i32 to index
            %get3A_165 = arith.constant 80 : index
            %get3A_166 = tpu.vector_load %arg14[%get3A_164, %get3A_165] {strides = array<i32>} : memref<128x128xf32, #tpu.memory_space<vmem>>, vector<16xf32>,
            %mul3A_167 = arith.mulf %get3A_166, %gather3A_128 : vector<16xf32>
            %swap3A_168 = arith.index_cast %add3A_126 : i32 to index
            %swap3A_169 = arith.constant 80 : index
            %swap3A_170 = tpu.vector_load %arg14[%swap3A_168, %swap3A_169] {strides = array<i32>} : memref<128x128xf32, #tpu.memory_space<vmem>>, vector<16xf32>,
            tpu.vector_store %arg14[%swap3A_168, %swap3A_169], %mul3A_167 {strides = array<i32>} : memref<128x128xf32, #tpu.memory_space<vmem>>, vector<16xf32>,
            %get3A_171 = arith.index_cast %add3A_126 : i32 to index
            %get3A_172 = arith.constant 96 : index
            %get3A_173 = tpu.vector_load %arg14[%get3A_171, %get3A_172] {strides = array<i32>} : memref<128x128xf32, #tpu.memory_space<vmem>>, vector<16xf32>,
            %mul3A_174 = arith.mulf %get3A_173, %gather3A_128 : vector<16xf32>
            %swap3A_175 = arith.index_cast %add3A_126 : i32 to index
            %swap3A_176 = arith.constant 96 : index
            %swap3A_177 = tpu.vector_load %arg14[%swap3A_175, %swap3A_176] {strides = array<i32>} : memref<128x128xf32, #tpu.memory_space<vmem>>, vector<16xf32>,
            tpu.vector_store %arg14[%swap3A_175, %swap3A_176], %mul3A_174 {strides = array<i32>} : memref<128x128xf32, #tpu.memory_space<vmem>>, vector<16xf32>,
            %get3A_178 = arith.index_cast %add3A_126 : i32 to index
            %get3A_179 = arith.constant 112 : index
            %get3A_180 = tpu.vector_load %arg14[%get3A_178, %get3A_179] {strides = array<i32>} : memref<128x128xf32, #tpu.memory_space<vmem>>, vector<16xf32>,
            %mul3A_181 = arith.mulf %get3A_180, %gather3A_128 : vector<16xf32>
            %swap3A_182 = arith.index_cast %add3A_126 : i32 to index
            %swap3A_183 = arith.constant 112 : index
            %swap3A_184 = tpu.vector_load %arg14[%swap3A_182, %swap3A_183] {strides = array<i32>} : memref<128x128xf32, #tpu.memory_space<vmem>>, vector<16xf32>,
            tpu.vector_store %arg14[%swap3A_182, %swap3A_183], %mul3A_181 {strides = array<i32>} : memref<128x128xf32, #tpu.memory_space<vmem>>, vector<16xf32>,
            %mul3A_185 = arith.constant 4 : i32
            %mul3A_186 = arith.muli %scan3A_64, %mul3A_185 : i32
            %add3A_187 = arith.constant 2 : i32
            %add3A_188 = arith.addi %mul3A_186, %add3A_187 : i32
            %broadcast_in_dim3A_189 = vector.broadcast %add3A_188 : i32 to vector<16xi32>
            %gather3A_190 = tpu.vector_load_idx %arg13[%broadcast_in_dim3A_189] : memref<128xf32, #tpu.memory_space<vmem>>[vector<16xi32>], vector<16xf32>,
            %get3A_191 = arith.index_cast %add3A_188 : i32 to index
            %get3A_192 = arith.constant 0 : index
            %get3A_193 = tpu.vector_load %arg14[%get3A_191, %get3A_192] {strides = array<i32>} : memref<128x128xf32, #tpu.memory_space<vmem>>, vector<16xf32>,
            %mul3A_194 = arith.mulf %get3A_193, %gather3A_190 : vector<16xf32>
            %swap3A_195 = arith.index_cast %add3A_188 : i32 to index
            %swap3A_196 = arith.constant 0 : index
            %swap3A_197 = tpu.vector_load %arg14[%swap3A_195, %swap3A_196] {strides = array<i32>} : memref<128x128xf32, #tpu.memory_space<vmem>>, vector<16xf32>,
            tpu.vector_store %arg14[%swap3A_195, %swap3A_196], %mul3A_194 {strides = array<i32>} : memref<128x128xf32, #tpu.memory_space<vmem>>, vector<16xf32>,
            %get3A_198 = arith.index_cast %add3A_188 : i32 to index
            %get3A_199 = arith.constant 16 : index
            %get3A_200 = tpu.vector_load %arg14[%get3A_198, %get3A_199] {strides = array<i32>} : memref<128x128xf32, #tpu.memory_space<vmem>>, vector<16xf32>,
            %mul3A_201 = arith.mulf %get3A_200, %gather3A_190 : vector<16xf32>
            %swap3A_202 = arith.index_cast %add3A_188 : i32 to index
            %swap3A_203 = arith.constant 16 : index
            %swap3A_204 = tpu.vector_load %arg14[%swap3A_202, %swap3A_203] {strides = array<i32>} : memref<128x128xf32, #tpu.memory_space<vmem>>, vector<16xf32>,
            tpu.vector_store %arg14[%swap3A_202, %swap3A_203], %mul3A_201 {strides = array<i32>} : memref<128x128xf32, #tpu.memory_space<vmem>>, vector<16xf32>,
            %get3A_205 = arith.index_cast %add3A_188 : i32 to index
            %get3A_206 = arith.constant 32 : index
            %get3A_207 = tpu.vector_load %arg14[%get3A_205, %get3A_206] {strides = array<i32>} : memref<128x128xf32, #tpu.memory_space<vmem>>, vector<16xf32>,
            %mul3A_208 = arith.mulf %get3A_207, %gather3A_190 : vector<16xf32>
            %swap3A_209 = arith.index_cast %add3A_188 : i32 to index
            %swap3A_210 = arith.constant 32 : index
            %swap3A_211 = tpu.vector_load %arg14[%swap3A_209, %swap3A_210] {strides = array<i32>} : memref<128x128xf32, #tpu.memory_space<vmem>>, vector<16xf32>,
            tpu.vector_store %arg14[%swap3A_209, %swap3A_210], %mul3A_208 {strides = array<i32>} : memref<128x128xf32, #tpu.memory_space<vmem>>, vector<16xf32>,
            %get3A_212 = arith.index_cast %add3A_188 : i32 to index
            %get3A_213 = arith.constant 48 : index
            %get3A_214 = tpu.vector_load %arg14[%get3A_212, %get3A_213] {strides = array<i32>} : memref<128x128xf32, #tpu.memory_space<vmem>>, vector<16xf32>,
            %mul3A_215 = arith.mulf %get3A_214, %gather3A_190 : vector<16xf32>
            %swap3A_216 = arith.index_cast %add3A_188 : i32 to index
            %swap3A_217 = arith.constant 48 : index
            %swap3A_218 = tpu.vector_load %arg14[%swap3A_216, %swap3A_217] {strides = array<i32>} : memref<128x128xf32, #tpu.memory_space<vmem>>, vector<16xf32>,
            tpu.vector_store %arg14[%swap3A_216, %swap3A_217], %mul3A_215 {strides = array<i32>} : memref<128x128xf32, #tpu.memory_space<vmem>>, vector<16xf32>,
            %get3A_219 = arith.index_cast %add3A_188 : i32 to index
            %get3A_220 = arith.constant 64 : index
            %get3A_221 = tpu.vector_load %arg14[%get3A_219, %get3A_220] {strides = array<i32>} : memref<128x128xf32, #tpu.memory_space<vmem>>, vector<16xf32>,
            %mul3A_222 = arith.mulf %get3A_221, %gather3A_190 : vector<16xf32>
            %swap3A_223 = arith.index_cast %add3A_188 : i32 to index
            %swap3A_224 = arith.constant 64 : index
            %swap3A_225 = tpu.vector_load %arg14[%swap3A_223, %swap3A_224] {strides = array<i32>} : memref<128x128xf32, #tpu.memory_space<vmem>>, vector<16xf32>,
            tpu.vector_store %arg14[%swap3A_223, %swap3A_224], %mul3A_222 {strides = array<i32>} : memref<128x128xf32, #tpu.memory_space<vmem>>, vector<16xf32>,
            %get3A_226 = arith.index_cast %add3A_188 : i32 to index
            %get3A_227 = arith.constant 80 : index
            %get3A_228 = tpu.vector_load %arg14[%get3A_226, %get3A_227] {strides = array<i32>} : memref<128x128xf32, #tpu.memory_space<vmem>>, vector<16xf32>,
            %mul3A_229 = arith.mulf %get3A_228, %gather3A_190 : vector<16xf32>
            %swap3A_230 = arith.index_cast %add3A_188 : i32 to index
            %swap3A_231 = arith.constant 80 : index
            %swap3A_232 = tpu.vector_load %arg14[%swap3A_230, %swap3A_231] {strides = array<i32>} : memref<128x128xf32, #tpu.memory_space<vmem>>, vector<16xf32>,
            tpu.vector_store %arg14[%swap3A_230, %swap3A_231], %mul3A_229 {strides = array<i32>} : memref<128x128xf32, #tpu.memory_space<vmem>>, vector<16xf32>,
            %get3A_233 = arith.index_cast %add3A_188 : i32 to index
            %get3A_234 = arith.constant 96 : index
            %get3A_235 = tpu.vector_load %arg14[%get3A_233, %get3A_234] {strides = array<i32>} : memref<128x128xf32, #tpu.memory_space<vmem>>, vector<16xf32>,
            %mul3A_236 = arith.mulf %get3A_235, %gather3A_190 : vector<16xf32>
            %swap3A_237 = arith.index_cast %add3A_188 : i32 to index
            %swap3A_238 = arith.constant 96 : index
            %swap3A_239 = tpu.vector_load %arg14[%swap3A_237, %swap3A_238] {strides = array<i32>} : memref<128x128xf32, #tpu.memory_space<vmem>>, vector<16xf32>,
            tpu.vector_store %arg14[%swap3A_237, %swap3A_238], %mul3A_236 {strides = array<i32>} : memref<128x128xf32, #tpu.memory_space<vmem>>, vector<16xf32>,
            %get3A_240 = arith.index_cast %add3A_188 : i32 to index
            %get3A_241 = arith.constant 112 : index
            %get3A_242 = tpu.vector_load %arg14[%get3A_240, %get3A_241] {strides = array<i32>} : memref<128x128xf32, #tpu.memory_space<vmem>>, vector<16xf32>,
            %mul3A_243 = arith.mulf %get3A_242, %gather3A_190 : vector<16xf32>
            %swap3A_244 = arith.index_cast %add3A_188 : i32 to index
            %swap3A_245 = arith.constant 112 : index
            %swap3A_246 = tpu.vector_load %arg14[%swap3A_244, %swap3A_245] {strides = array<i32>} : memref<128x128xf32, #tpu.memory_space<vmem>>, vector<16xf32>,
            tpu.vector_store %arg14[%swap3A_244, %swap3A_245], %mul3A_243 {strides = array<i32>} : memref<128x128xf32, #tpu.memory_space<vmem>>, vector<16xf32>,
            %mul3A_247 = arith.constant 4 : i32
            %mul3A_248 = arith.muli %scan3A_64, %mul3A_247 : i32
            %add3A_249 = arith.constant 3 : i32
            %add3A_250 = arith.addi %mul3A_248, %add3A_249 : i32
            %broadcast_in_dim3A_251 = vector.broadcast %add3A_250 : i32 to vector<16xi32>
            %gather3A_252 = tpu.vector_load_idx %arg13[%broadcast_in_dim3A_251] : memref<128xf32, #tpu.memory_space<vmem>>[vector<16xi32>], vector<16xf32>,
            %get3A_253 = arith.index_cast %add3A_250 : i32 to index
            %get3A_254 = arith.constant 0 : index
            %get3A_255 = tpu.vector_load %arg14[%get3A_253, %get3A_254] {strides = array<i32>} : memref<128x128xf32, #tpu.memory_space<vmem>>, vector<16xf32>,
            %mul3A_256 = arith.mulf %get3A_255, %gather3A_252 : vector<16xf32>
            %swap3A_257 = arith.index_cast %add3A_250 : i32 to index
            %swap3A_258 = arith.constant 0 : index
            %swap3A_259 = tpu.vector_load %arg14[%swap3A_257, %swap3A_258] {strides = array<i32>} : memref<128x128xf32, #tpu.memory_space<vmem>>, vector<16xf32>,
            tpu.vector_store %arg14[%swap3A_257, %swap3A_258], %mul3A_256 {strides = array<i32>} : memref<128x128xf32, #tpu.memory_space<vmem>>, vector<16xf32>,
            %get3A_260 = arith.index_cast %add3A_250 : i32 to index
            %get3A_261 = arith.constant 16 : index
            %get3A_262 = tpu.vector_load %arg14[%get3A_260, %get3A_261] {strides = array<i32>} : memref<128x128xf32, #tpu.memory_space<vmem>>, vector<16xf32>,
            %mul3A_263 = arith.mulf %get3A_262, %gather3A_252 : vector<16xf32>
            %swap3A_264 = arith.index_cast %add3A_250 : i32 to index
            %swap3A_265 = arith.constant 16 : index
            %swap3A_266 = tpu.vector_load %arg14[%swap3A_264, %swap3A_265] {strides = array<i32>} : memref<128x128xf32, #tpu.memory_space<vmem>>, vector<16xf32>,
            tpu.vector_store %arg14[%swap3A_264, %swap3A_265], %mul3A_263 {strides = array<i32>} : memref<128x128xf32, #tpu.memory_space<vmem>>, vector<16xf32>,
            %get3A_267 = arith.index_cast %add3A_250 : i32 to index
            %get3A_268 = arith.constant 32 : index
            %get3A_269 = tpu.vector_load %arg14[%get3A_267, %get3A_268] {strides = array<i32>} : memref<128x128xf32, #tpu.memory_space<vmem>>, vector<16xf32>,
            %mul3A_270 = arith.mulf %get3A_269, %gather3A_252 : vector<16xf32>
            %swap3A_271 = arith.index_cast %add3A_250 : i32 to index
            %swap3A_272 = arith.constant 32 : index
            %swap3A_273 = tpu.vector_load %arg14[%swap3A_271, %swap3A_272] {strides = array<i32>} : memref<128x128xf32, #tpu.memory_space<vmem>>, vector<16xf32>,
            tpu.vector_store %arg14[%swap3A_271, %swap3A_272], %mul3A_270 {strides = array<i32>} : memref<128x128xf32, #tpu.memory_space<vmem>>, vector<16xf32>,
            %get3A_274 = arith.index_cast %add3A_250 : i32 to index
            %get3A_275 = arith.constant 48 : index
            %get3A_276 = tpu.vector_load %arg14[%get3A_274, %get3A_275] {strides = array<i32>} : memref<128x128xf32, #tpu.memory_space<vmem>>, vector<16xf32>,
            %mul3A_277 = arith.mulf %get3A_276, %gather3A_252 : vector<16xf32>
            %swap3A_278 = arith.index_cast %add3A_250 : i32 to index
            %swap3A_279 = arith.constant 48 : index
            %swap3A_280 = tpu.vector_load %arg14[%swap3A_278, %swap3A_279] {strides = array<i32>} : memref<128x128xf32, #tpu.memory_space<vmem>>, vector<16xf32>,
            tpu.vector_store %arg14[%swap3A_278, %swap3A_279], %mul3A_277 {strides = array<i32>} : memref<128x128xf32, #tpu.memory_space<vmem>>, vector<16xf32>,
            %get3A_281 = arith.index_cast %add3A_250 : i32 to index
            %get3A_282 = arith.constant 64 : index
            %get3A_283 = tpu.vector_load %arg14[%get3A_281, %get3A_282] {strides = array<i32>} : memref<128x128xf32, #tpu.memory_space<vmem>>, vector<16xf32>,
            %mul3A_284 = arith.mulf %get3A_283, %gather3A_252 : vector<16xf32>
            %swap3A_285 = arith.index_cast %add3A_250 : i32 to index
            %swap3A_286 = arith.constant 64 : index
            %swap3A_287 = tpu.vector_load %arg14[%swap3A_285, %swap3A_286] {strides = array<i32>} : memref<128x128xf32, #tpu.memory_space<vmem>>, vector<16xf32>,
            tpu.vector_store %arg14[%swap3A_285, %swap3A_286], %mul3A_284 {strides = array<i32>} : memref<128x128xf32, #tpu.memory_space<vmem>>, vector<16xf32>,
            %get3A_288 = arith.index_cast %add3A_250 : i32 to index
            %get3A_289 = arith.constant 80 : index
            %get3A_290 = tpu.vector_load %arg14[%get3A_288, %get3A_289] {strides = array<i32>} : memref<128x128xf32, #tpu.memory_space<vmem>>, vector<16xf32>,
            %mul3A_291 = arith.mulf %get3A_290, %gather3A_252 : vector<16xf32>
            %swap3A_292 = arith.index_cast %add3A_250 : i32 to index
            %swap3A_293 = arith.constant 80 : index
            %swap3A_294 = tpu.vector_load %arg14[%swap3A_292, %swap3A_293] {strides = array<i32>} : memref<128x128xf32, #tpu.memory_space<vmem>>, vector<16xf32>,
            tpu.vector_store %arg14[%swap3A_292, %swap3A_293], %mul3A_291 {strides = array<i32>} : memref<128x128xf32, #tpu.memory_space<vmem>>, vector<16xf32>,
            %get3A_295 = arith.index_cast %add3A_250 : i32 to index
            %get3A_296 = arith.constant 96 : index
            %get3A_297 = tpu.vector_load %arg14[%get3A_295, %get3A_296] {strides = array<i32>} : memref<128x128xf32, #tpu.memory_space<vmem>>, vector<16xf32>,
            %mul3A_298 = arith.mulf %get3A_297, %gather3A_252 : vector<16xf32>
            %swap3A_299 = arith.index_cast %add3A_250 : i32 to index
            %swap3A_300 = arith.constant 96 : index
            %swap3A_301 = tpu.vector_load %arg14[%swap3A_299, %swap3A_300] {strides = array<i32>} : memref<128x128xf32, #tpu.memory_space<vmem>>, vector<16xf32>,
            tpu.vector_store %arg14[%swap3A_299, %swap3A_300], %mul3A_298 {strides = array<i32>} : memref<128x128xf32, #tpu.memory_space<vmem>>, vector<16xf32>,
            %get3A_302 = arith.index_cast %add3A_250 : i32 to index
            %get3A_303 = arith.constant 112 : index
            %get3A_304 = tpu.vector_load %arg14[%get3A_302, %get3A_303] {strides = array<i32>} : memref<128x128xf32, #tpu.memory_space<vmem>>, vector<16xf32>,
            %mul3A_305 = arith.mulf %get3A_304, %gather3A_252 : vector<16xf32>
            %swap3A_306 = arith.index_cast %add3A_250 : i32 to index
            %swap3A_307 = arith.constant 112 : index
            %swap3A_308 = tpu.vector_load %arg14[%swap3A_306, %swap3A_307] {strides = array<i32>} : memref<128x128xf32, #tpu.memory_space<vmem>>, vector<16xf32>,
            tpu.vector_store %arg14[%swap3A_306, %swap3A_307], %mul3A_305 {strides = array<i32>} : memref<128x128xf32, #tpu.memory_space<vmem>>, vector<16xf32>,
          }
          %scan3A_63 = arith.constant 32 : i32
          "tpu.region"() ({
            %run_scoped3A = tpu.sem_alloc : memref<!tpu.dma_semaphore, #tpu.memory_space<semaphore_mem>>
            %dma_start3A_64 = arith.constant 0 : i32
            %dma_start3A_65 = tpu.memref_slice %arg11[%scan3A_40, %dma_start3A_64] : memref<16x128xi32, #tpu.memory_space<vmem>> -> memref<1x128xi32, #tpu.memory_space<vmem>>
            %dma_start3A_66 = tpu.memref_squeeze %dma_start3A_65 : memref<1x128xi32, #tpu.memory_space<vmem>> -> memref<128xi32, #tpu.memory_space<vmem>>
            %dma_start3A_67 = arith.constant 0 : i32
            %dma_start3A_68 = arith.constant 0 : i32
            %dma_start3A_69 = tpu.memref_slice %arg15[%dma_start3A_67, %dma_start3A_68] : memref<10000x128xf32, #tpu.memory_space<vmem_shared>> -> memref<10000x128xf32, #tpu.memory_space<vmem_shared>>
            tpu.enqueue_indirect_dma source(%arg14 : memref<128x128xf32, #tpu.memory_space<vmem>>) target(%dma_start3A_69 : memref<10000x128xf32, #tpu.memory_space<vmem_shared>>) offsets(%dma_start3A_66 : memref<128xi32, #tpu.memory_space<vmem>>) semaphore(%run_scoped3A : memref<!tpu.dma_semaphore, #tpu.memory_space<semaphore_mem>>) {add = true}
            %dma_wait3A_70 = arith.constant 0 : i32
            %dma_wait3A_71 = tpu.memref_slice %arg11[%scan3A_40, %dma_wait3A_70] : memref<16x128xi32, #tpu.memory_space<vmem>> -> memref<1x128xi32, #tpu.memory_space<vmem>>
            %dma_wait3A_72 = tpu.memref_squeeze %dma_wait3A_71 : memref<1x128xi32, #tpu.memory_space<vmem>> -> memref<128xi32, #tpu.memory_space<vmem>>
            %dma_wait3A_73 = arith.constant 0 : i32
            %dma_wait3A_74 = arith.constant 0 : i32
            %dma_wait3A_75 = tpu.memref_slice %arg15[%dma_wait3A_73, %dma_wait3A_74] : memref<10000x128xf32, #tpu.memory_space<vmem_shared>> -> memref<10000x128xf32, #tpu.memory_space<vmem_shared>>
            tpu.wait_indirect_dma semaphore(%run_scoped3A : memref<!tpu.dma_semaphore, #tpu.memory_space<semaphore_mem>>) src(%arg14 : memref<128x128xf32, #tpu.memory_space<vmem>>) dst(%dma_wait3A_75 : memref<10000x128xf32, #tpu.memory_space<vmem_shared>>)
            tpu.yield
          }) : () -> ()
        } else {
        }
      }
      %scan3A_39 = arith.constant 16 : i32
    }
    %scan3A_29 = arith.constant 5 : i32
    %barrier3A_30 = arith.constant 0 : index
    tpu.barrier barrier_id(%barrier3A_30)
    "tpu.region"() ({
      %run_scoped3A = tpu.sem_alloc : memref<!tpu.dma_semaphore, #tpu.memory_space<semaphore_mem>>
      %dma_start3A = arith.constant 0 : i32
      %dma_start3A_31 = tpu.memref_slice %arg7[%arg0, %multiple_of3A, %dma_start3A] : memref<2x10000x128xf32, #tpu.memory_space<hbm>> -> memref<1x640x128xf32, #tpu.memory_space<hbm>>
      %dma_start3A_32 = tpu.memref_squeeze %dma_start3A_31 : memref<1x640x128xf32, #tpu.memory_space<hbm>> -> memref<640x128xf32, #tpu.memory_space<hbm>>
      %dma_start3A_33 = arith.constant 0 : i32
      %dma_start3A_34 = tpu.memref_slice %arg15[%multiple_of3A, %dma_start3A_33] : memref<10000x128xf32, #tpu.memory_space<vmem_shared>> -> memref<640x128xf32, #tpu.memory_space<vmem_shared>>
      tpu.enqueue_dma source(%dma_start3A_34 : memref<640x128xf32, #tpu.memory_space<vmem_shared>>) target(%dma_start3A_32 : memref<640x128xf32, #tpu.memory_space<hbm>>) target_semaphore(%run_scoped3A : memref<!tpu.dma_semaphore, #tpu.memory_space<semaphore_mem>>)
      %dma_wait3A = arith.constant 0 : i32
      %dma_wait3A_35 = tpu.memref_slice %arg7[%arg0, %multiple_of3A, %dma_wait3A] : memref<2x10000x128xf32, #tpu.memory_space<hbm>> -> memref<1x640x128xf32, #tpu.memory_space<hbm>>
      %dma_wait3A_36 = tpu.memref_squeeze %dma_wait3A_35 : memref<1x640x128xf32, #tpu.memory_space<hbm>> -> memref<640x128xf32, #tpu.memory_space<hbm>>
      %dma_wait3A_37 = arith.constant 0 : i32
      %dma_wait3A_38 = tpu.memref_slice %arg15[%multiple_of3A, %dma_wait3A_37] : memref<10000x128xf32, #tpu.memory_space<vmem_shared>> -> memref<640x128xf32, #tpu.memory_space<vmem_shared>>
      tpu.wait_dma2 semaphore(%run_scoped3A : memref<!tpu.dma_semaphore, #tpu.memory_space<semaphore_mem>>) src(%dma_wait3A_38 : memref<640x128xf32, #tpu.memory_space<vmem_shared>>) dst(%dma_wait3A_36 : memref<640x128xf32, #tpu.memory_space<hbm>>)
      tpu.yield
    }) : () -> ()
    return
  }
}

module attributes {stable_mosaic.version = 14 : i64} {
  func.func @_k1_scalars(%arg0: memref<10000x128xf32, #tpu.memory_space<vmem>>, %arg1: memref<416x128xf32, #tpu.memory_space<vmem>>, %arg2: memref<128x384xf32, #tpu.memory_space<vmem>>, %arg3: memref<1x128xf32, #tpu.memory_space<vmem>>, %arg4: memref<10000x1xf32, #tpu.memory_space<vmem>>, %arg5: memref<10000x1xf32, #tpu.memory_space<vmem>>, %arg6: memref<416x1xf32, #tpu.memory_space<vmem>>) attributes {dimension_semantics = [], scalar_prefetch = 0 : i64, scratch_operands = 0 : i64, tpu.core_type = #tpu.core_type<tc>} {
    %get3A = arith.constant 0 : index
    %get3A_0 = arith.constant 0 : index
    %get3A_1 = vector.load %arg3[%get3A, %get3A_0] : memref<1x128xf32, #tpu.memory_space<vmem>>, vector<1x128xf32>
    %get3A_2 = arith.constant 0 : index
    %get3A_3 = arith.constant 0 : index
    %get3A_4 = vector.load %arg2[%get3A_2, %get3A_3] : memref<128x384xf32, #tpu.memory_space<vmem>>, vector<128x384xf32>
    %dot_general3A = arith.constant dense<0.000000e+00> : vector<1x384xf32>
    %dot_general3A_5 = tpu.matmul %get3A_1, %get3A_4, %dot_general3A {dimension_numbers = #tpu.dot_dimension_numbers<[1], [0], [0], [1], [0, 0, 1, 1], [], []>, transpose_lhs_hint = false} : vector<1x128xf32>, vector<128x384xf32>, vector<1x384xf32> -> vector<1x384xf32>
    %get3A_6 = arith.constant 0 : index
    %get3A_7 = arith.constant 0 : index
    %get3A_8 = vector.load %arg0[%get3A_6, %get3A_7] : memref<10000x128xf32, #tpu.memory_space<vmem>>, vector<10000x128xf32>
    %slice3A = vector.extract_strided_slice %dot_general3A_5 {offsets = [0, 0], sizes = [1, 128], strides = [1, 1]} : vector<1x384xf32> to vector<1x128xf32>
    %mul3A = vector.broadcast %slice3A : vector<1x128xf32> to vector<10000x128xf32>
    %mul3A_9 = arith.mulf %get3A_8, %mul3A : vector<10000x128xf32>
    %reduce_sum3A = arith.constant dense<0.000000e+00> : vector<10000xf32>
    %reduce_sum3A_10 = vector.multi_reduction <add>, %mul3A_9, %reduce_sum3A [1] : vector<10000x128xf32> to vector<10000xf32>
    %broadcast_in_dim3A = vector.shape_cast %reduce_sum3A_10 : vector<10000xf32> to vector<10000x1xf32>
    %swap3A = arith.constant 0 : index
    %swap3A_11 = arith.constant 0 : index
    %swap3A_12 = vector.load %arg4[%swap3A, %swap3A_11] : memref<10000x1xf32, #tpu.memory_space<vmem>>, vector<10000x1xf32>
    tpu.vector_store %arg4[%swap3A, %swap3A_11], %broadcast_in_dim3A {strides = array<i32>} : memref<10000x1xf32, #tpu.memory_space<vmem>>, vector<10000x1xf32>,
    %get3A_13 = arith.constant 0 : index
    %get3A_14 = arith.constant 0 : index
    %get3A_15 = vector.load %arg0[%get3A_13, %get3A_14] : memref<10000x128xf32, #tpu.memory_space<vmem>>, vector<10000x128xf32>
    %slice3A_16 = vector.extract_strided_slice %dot_general3A_5 {offsets = [0, 128], sizes = [1, 128], strides = [1, 1]} : vector<1x384xf32> to vector<1x128xf32>
    %mul3A_17 = vector.broadcast %slice3A_16 : vector<1x128xf32> to vector<10000x128xf32>
    %mul3A_18 = arith.mulf %get3A_15, %mul3A_17 : vector<10000x128xf32>
    %reduce_sum3A_19 = arith.constant dense<0.000000e+00> : vector<10000xf32>
    %reduce_sum3A_20 = vector.multi_reduction <add>, %mul3A_18, %reduce_sum3A_19 [1] : vector<10000x128xf32> to vector<10000xf32>
    %broadcast_in_dim3A_21 = vector.shape_cast %reduce_sum3A_20 : vector<10000xf32> to vector<10000x1xf32>
    %swap3A_22 = arith.constant 0 : index
    %swap3A_23 = arith.constant 0 : index
    %swap3A_24 = vector.load %arg5[%swap3A_22, %swap3A_23] : memref<10000x1xf32, #tpu.memory_space<vmem>>, vector<10000x1xf32>
    tpu.vector_store %arg5[%swap3A_22, %swap3A_23], %broadcast_in_dim3A_21 {strides = array<i32>} : memref<10000x1xf32, #tpu.memory_space<vmem>>, vector<10000x1xf32>,
    %get3A_25 = arith.constant 0 : index
    %get3A_26 = arith.constant 0 : index
    %get3A_27 = vector.load %arg1[%get3A_25, %get3A_26] : memref<416x128xf32, #tpu.memory_space<vmem>>, vector<416x128xf32>
    %slice3A_28 = vector.extract_strided_slice %dot_general3A_5 {offsets = [0, 256], sizes = [1, 128], strides = [1, 1]} : vector<1x384xf32> to vector<1x128xf32>
    %mul3A_29 = vector.broadcast %slice3A_28 : vector<1x128xf32> to vector<416x128xf32>
    %mul3A_30 = arith.mulf %get3A_27, %mul3A_29 : vector<416x128xf32>
    %reduce_sum3A_31 = arith.constant dense<0.000000e+00> : vector<416xf32>
    %reduce_sum3A_32 = vector.multi_reduction <add>, %mul3A_30, %reduce_sum3A_31 [1] : vector<416x128xf32> to vector<416xf32>
    %broadcast_in_dim3A_33 = vector.shape_cast %reduce_sum3A_32 : vector<416xf32> to vector<416x1xf32>
    %swap3A_34 = arith.constant 0 : index
    %swap3A_35 = arith.constant 0 : index
    %swap3A_36 = vector.load %arg6[%swap3A_34, %swap3A_35] : memref<416x1xf32, #tpu.memory_space<vmem>>, vector<416x1xf32>
    tpu.vector_store %arg6[%swap3A_34, %swap3A_35], %broadcast_in_dim3A_33 {strides = array<i32>} : memref<416x1xf32, #tpu.memory_space<vmem>>, vector<416x1xf32>,
    return
  }
}

module attributes {stable_mosaic.version = 14 : i64} {
  func.func @_k4_combine(%arg0: memref<2x10000x128xf32, #tpu.memory_space<vmem>>, %arg1: memref<10000x128xf32, #tpu.memory_space<vmem>>) attributes {dimension_semantics = [], scalar_prefetch = 0 : i64, scratch_operands = 0 : i64, tpu.core_type = #tpu.core_type<tc>} {
    %get3A = arith.constant 0 : index
    %get3A_0 = arith.constant 0 : index
    %get3A_1 = arith.constant 0 : index
    %get3A_2 = vector.load %arg0[%get3A, %get3A_0, %get3A_1] : memref<2x10000x128xf32, #tpu.memory_space<vmem>>, vector<1x10000x128xf32>
    %get3A_3 = vector.shape_cast %get3A_2 : vector<1x10000x128xf32> to vector<10000x128xf32>
    %get3A_4 = arith.constant 1 : index
    %get3A_5 = arith.constant 0 : index
    %get3A_6 = arith.constant 0 : index
    %get3A_7 = vector.load %arg0[%get3A_4, %get3A_5, %get3A_6] : memref<2x10000x128xf32, #tpu.memory_space<vmem>>, vector<1x10000x128xf32>
    %get3A_8 = vector.shape_cast %get3A_7 : vector<1x10000x128xf32> to vector<10000x128xf32>
    %add3A = arith.addf %get3A_3, %get3A_8 : vector<10000x128xf32>
    %swap3A = arith.constant 0 : index
    %swap3A_9 = arith.constant 0 : index
    %swap3A_10 = vector.load %arg1[%swap3A, %swap3A_9] : memref<10000x128xf32, #tpu.memory_space<vmem>>, vector<10000x128xf32>
    tpu.vector_store %arg1[%swap3A, %swap3A_9], %add3A {strides = array<i32>} : memref<10000x128xf32, #tpu.memory_space<vmem>>, vector<10000x128xf32>,
    return
  }
}

</mosaic_0001>

<sc_bundles>
// kernel: kernel.6.cloned.1.call-start
scs
__scs_entry_jumppad:
0x0: {  	(pc) =	sbr.rel $0x88, $3  }
0x1: {  	(tag) =	ssettag $0x0;
	lr =	simm.s32 $0x1  }
0x2: {  	[smem:$0x3F9B] =	sst lr;
	_ =	strace $0xD0000000  }
0x3: {  	_ = 	snop  }
0x4: {  	_ = 	snop  }
0x5: {  	_ = 	snop  }
0x6: {  	_ = 	snop  }
0x7: {  	_ = 	snop  }
__scs_overlays_trampoline_lowered:
0x8: {  	[smem:$0x3FAA] =	sst s0  }
0x9: {  	[smem:$0x3FAB] =	sst s1  }
0xa: {  	[smem:$0x3FAC] =	sst s2  }
0xb: {  	[smem:$0x3FAD] =	sst s3  }
0xc: {  	[smem:$0x3FAE] =	sst s4  }
0xd: {  	[smem:$0x3FAF] =	sst s5  }
0xe: {  	[smem:$0x3FB0] =	sst s6  }
0xf: {  	[smem:$0x3FB1] =	sst s7  }
0x10: {  	[smem:$0x3FB2] =	sst s8  }
0x11: {  	[smem:$0x3FB3] =	sst s9;
	s0 =	simm.s32 @!p0 $0x0  }
0x12: {  	s1 =	sld [smem:$0x3F99];
	s0 =	simm.s32 @p0 $0x1  }
0x13: {  	[smem:$0x3FB4] =	sst s0;
	s0 =	simm.s32 @!p1 $0x0  }
0x14: {  	s2 =	sld [smem:$0x3F98];
	s0 =	simm.s32 @p1 $0x1  }
0x15: {  	[smem:$0x3FB5] =	sst s0;
	s0 =	simm.s32 @!p2 $0x0  }
0x16: {  	s3 =	sld [smem:$0x3FDB];
	s0 =	simm.s32 @p2 $0x1  }
0x17: {  	s4 =	simm.s32 $0x1BF5;
	[smem:$0x3FB7] =	sst s0  }
0x18: {  	s0 =	sld [smem:$0x3F9A];
	_ =	swait.ge [sflag:s4], $0x0  }
0x19: {  	s7 =	sld [smem:$0x3F9B]  }
0x1a: {  	s8 =	sadd.s32 $0xFFFFE003, lr  }
0x1b: {  	s9 =	sadd.s32 $0xFFFFFEF7, lr;
	s5 =	simm.s32 $0xFFFFFFFF;
	p2 =	slt.u32 s8, $0xFFFFF086  }
0x1c: {  	p1 =	slt.u32 s9, $0xF7A;
	s5 =	simm.s32 @!p2 $0x0  }
0x1d: {  	s5 =	simm.s32 @p1 $0x1;
	p0 =	seq.s32 s7, s2  }
0x1e: {  	s7 =	smul.u32 @!p0 $0xF7A, s2;
	p2 =	seq.s32 @!p0 s5, $0x0  }
0x1f: {  	s9 =	smul.u32 $0xF7A, s1;
	s8 =	simm.s32 @!p0 $0x1BF5;
	p2 =	por !p2, p0  }
0x20: {  	[sflag:s8] =	ssyncset.s32 @!p0 $0xFFFFF086;
	s6 =	sadd.s32 @!p0 s3, s7;
	s7 =	simm.s32 @!p0 $0x108  }
0x21: {  	s3 =	sadd.s32 s3, s9;
	s6 =	sadd.s32 @!p0 $0x88, s6;
	s7 =	simm.s32 @p2 $0x1082  }
0x22: {  	[simem:s7], [sflag:s8] =	dma.local @!p0 [hbm:s6], $0xF7A  }
0x23: {  	s9 =	sor.u32 $0xD0000000, s2;
	s6 =	simm.s32 $0x108;
	_ =	swait.ge @!p0 [sflag:s8], $0x0  }
0x24: {  	s3 =	sadd.s32 $0x88, s3;
	s6 =	simm.s32 @!p1 $0x1082;
	[sflag:s4] =	ssyncset.s32 $0xFFFFF086  }
0x25: {  	[simem:s6], [sflag:s4] =	dma.local [hbm:s3], $0xF7A  }
0x26: {  	[smem:$0x3F9B] =	sst s1;
	(tag) =	ssettag s2;
	_ =	strace s9  }
0x27: {  	s1 =	sld [smem:$0x3FAB]  }
0x28: {  	s2 =	sld [smem:$0x3FAC]  }
0x29: {  	s4 =	sld [smem:$0x3FAE]  }
0x2a: {  	p0 =	seq.s32 s5, $0x0;
	s5 =	sld [smem:$0x3FAF]  }
0x2b: {  	s6 =	sld [smem:$0x3FB0]  }
0x2c: {  	s7 =	sld [smem:$0x3FB1]  }
0x2d: {  	s3 =	simm.s32 $0x108;
	s8 =	sld [smem:$0x3FB2]  }
0x2e: {  	s3 =	simm.s32 @!p0 $0x1082;
	s9 =	sld [smem:$0x3FB3]  }
0x2f: {  	lr =	sadd.s32 s0, s3;
	s0 =	sld [smem:$0x3FAA]  }
0x30: {  	s3 =	sld [smem:$0x3FAD]  }
0x31: {  	[smem:$0x3FB6] =	sst s10  }
0x32: {  	s10 =	sld [smem:$0x3FB4];
	_ =	sdelay $0x3  }
0x33: {  	p0 =	seq.s32 s10, $0x1;
	s10 =	sld [smem:$0x3FB6];
	_ =	sdelay $0x3  }
0x34: {  	[smem:$0x3FB6] =	sst s10  }
0x35: {  	s10 =	sld [smem:$0x3FB5];
	_ =	sdelay $0x3  }
0x36: {  	p1 =	seq.s32 s10, $0x1;
	s10 =	sld [smem:$0x3FB6];
	_ =	sdelay $0x3  }
0x37: {  	[smem:$0x3FB6] =	sst s10  }
0x38: {  	s10 =	sld [smem:$0x3FB7]  }
0x39: {  	_ = 	snop;
	(pc) =	sbr.ind lr, $3  }
0x3a: {  	_ = 	snop  }
0x3b: {  	_ = 	snop  }
0x3c: {  	p2 =	seq.s32 s10, $0x1;
	s10 =	sld [smem:$0x3FB6]  }
0x3d: {  	_ =	shalt  }
0x3e: {  	_ =	shalt  }
0x3f: {  	_ =	shalt  }
0x40: {  	_ =	shalt  }
0x41: {  	_ =	shalt  }
0x42: {  	_ =	shalt  }
0x43: {  	_ =	shalt  }
0x44: {  	_ =	shalt  }
0x45: {  	_ =	shalt  }
0x46: {  	_ =	shalt  }
0x47: {  	_ =	shalt  }
0x48: {  	_ =	shalt  }
0x49: {  	_ =	shalt  }
0x4a: {  	_ =	shalt  }
0x4b: {  	_ =	shalt  }
0x4c: {  	_ =	shalt  }
0x4d: {  	_ =	shalt  }
0x4e: {  	_ =	shalt  }
0x4f: {  	_ =	shalt  }
0x50: {  	_ =	shalt  }
0x51: {  	_ =	shalt  }
0x52: {  	_ =	shalt  }
0x53: {  	_ =	shalt  }
0x54: {  	_ =	shalt  }
0x55: {  	_ =	shalt  }
0x56: {  	_ =	shalt  }
0x57: {  	_ =	shalt  }
0x58: {  	_ =	shalt  }
0x59: {  	_ =	shalt  }
0x5a: {  	_ =	shalt  }
0x5b: {  	_ =	shalt  }
0x5c: {  	_ =	shalt  }
0x5d: {  	_ =	shalt  }
0x5e: {  	_ =	shalt  }
0x5f: {  	_ =	shalt  }
0x60: {  	_ =	shalt  }
0x61: {  	_ =	shalt  }
0x62: {  	_ =	shalt  }
0x63: {  	_ =	shalt  }
0x64: {  	_ =	shalt  }
0x65: {  	_ =	shalt  }
0x66: {  	_ =	shalt  }
0x67: {  	_ =	shalt  }
0x68: {  	_ =	shalt  }
0x69: {  	_ =	shalt  }
0x6a: {  	_ =	shalt  }
0x6b: {  	_ =	shalt  }
0x6c: {  	_ =	shalt  }
0x6d: {  	_ =	shalt  }
0x6e: {  	_ =	shalt  }
0x6f: {  	_ =	shalt  }
0x70: {  	_ =	shalt  }
0x71: {  	_ =	shalt  }
0x72: {  	_ =	shalt  }
0x73: {  	_ =	shalt  }
0x74: {  	_ =	shalt  }
0x75: {  	_ =	shalt  }
0x76: {  	_ =	shalt  }
0x77: {  	_ =	shalt  }
0x78: {  	_ =	shalt  }
0x79: {  	_ =	shalt  }
0x7a: {  	_ =	shalt  }
0x7b: {  	_ =	shalt  }
0x7c: {  	_ =	shalt  }
0x7d: {  	_ =	shalt  }
0x7e: {  	_ =	shalt  }
0x7f: {  	_ =	shalt  }
0x80: {  	_ =	shalt  }
0x81: {  	_ =	shalt  }
0x82: {  	_ =	shalt  }
0x83: {  	_ =	shalt  }
0x84: {  	_ =	shalt  }
0x85: {  	_ =	shalt  }
0x86: {  	_ =	shalt  }
0x87: {  	_ =	shalt  }
.Lfunc_end0:
.L_simem_size_0:
called_computation_lowered:
.L_overlay_start_0:
0x88: {  	s2 =	sld [smem:$0x3FD9]  }
0x89: {  	s3 =	sld [smem:$0x3FFE];
	_ =	sdelay $0x1  }
0x8a: {  	s1 =	srdreg.scid  }
0x8b: {  	s0 =	sand.u32 $0x1, s1  }
0x8c: {  	s17 =	sshll.u32 s0, $0xA;
	s2 =	sadd.s32 s3, s2  }
0x8d: {  	s2 =	sadd.s32 s2, s17  }
0x8e: {  	[smem:$0x3FC2] =	sst s2  }
0x8f: {  	_ = 	snop  }
0x90: {  	s2 =	sld [smem:$0x3FD0];
	(tm) =	ssettm $0x1  }
0x91: {  	s18 =	sld [smem:$0x3FFB];
	_ =	sdelay $0x3  }
0x92: {  	_ =	strace s18  }
0x93: {  	s3 =	sld [smem:$0x3FFC];
	_ =	sdelay $0x3  }
0x94: {  	_ =	strace s3  }
0x95: {  	s3 =	sld [smem:$0x3FFD];
	_ =	sdelay $0x3  }
0x96: {  	_ =	strace s3  }
0x97: {  	_ =	strace $0x8FFFFFFF  }
0x98: {  	s19 =	sld [smem:$0x3FDB];
	_ =	sdelay $0x1  }
0x99: {  	s4 =	simm.s32 $_scs_section_size  }
0x9a: {  	s5 =	simm.s32 $_size__tile_overlayer_lowered;
	s6 =	simm.s32 $_tile_overlayer_lowered  }
0x9b: {  	s22 =	simm.s32 $0x1BFF;
	s21 =	sshll.u32 s6, $0x1;
	s3 =	sadd.s32 s4, s19  }
0x9c: {  	s7 =	simm.s32 $0x0;
	s20 =	sshll.u32 s5, $0x1;
	s5 =	sadd.s32 s21, s3  }
0x9d: {  	[timem:s7], [sflag:s22] =	dma.local [hbm:s5], s20  }
0x9e: {  	_ =	swait.ge [sflag:s22], s20  }
0x9f: {  	s4 =	ssub.s32 $0x0, s20;
	[sflag:s22] =	ssyncset.done $0x0  }
0xa0: {  	[sflag:s22] =	ssyncadd.s32 s4;
	_ =	sdelay $0x1  }
0xa1: {  	s23 =	simm.s32 $0x1B8B  }
0xa2: {  	_ =	swait.ge [sflag:s23], $0x1  }
0xa3: {  	[sflag:s23] =	ssyncset.done $0x0  }
0xa4: {  	s25 =	simm.s32 $0x1B8E;
	s24 =	sld [smem:$0x3FFE];
	[sflag:s23] =	ssyncadd.s32 $0xFFFFFFFF  }
0xa5: {  	s26 =	simm.s32 $execute0_lowered;
	[smem:$0x3FD2] =	sst s25  }
0xa6: {  	s5 =	sshll.u32 s26, $0x1;
	_ =	strace $0x80000046;
	[dreg:$0x1] =	wrdreg $0xFFFFFFFF  }
0xa7: {  	s28 =	simm.s32 $_size_execute0_lowered;
	s3 =	sadd.s32 s3, s5;
	[dreg:$0x0] =	wrdreg $0x0  }
0xa8: {  	s5 =	sshll.u32 s28, $0x1;
	[dreg:$0x2] =	wrdreg s3  }
0xa9: {  	[dreg:$0x3] =	wrdreg s5  }
0xaa: {  	[dreg:$0x4] =	wrdreg $0xC0  }
0xab: {  	_ =	task [dreg:s7], $0x5FFFF  }
0xac: {  	[dreg:$0x1] =	wrdreg $0xFFFFFFFF  }
0xad: {  	[dreg:$0x0] =	wrdreg $0x60  }
0xae: {  	[dreg:$0x2] =	wrdreg s24  }
0xaf: {  	[dreg:$0x3] =	wrdreg s2  }
0xb0: {  	[dreg:$0x4] =	wrdreg $0x119000  }
0xb1: {  	[dreg:$0x5] =	wrdreg $0x9  }
0xb2: {  	_ =	task.clear_ibuf [dreg:s7], $0x6FFFF;
	_ =	strace $0x90000046  }
0xb3: {  	s29 =	simm.s32 $0x9;
	_ =	strace $0x80000048  }
0xb4: {  	_ =	swait.ge [sflag:s29], $0x1  }
0xb5: {  	[sflag:s29] =	ssyncadd.s32 $0xFFFFFFFF  }
0xb6: {  	_ =	strace $0x90000048  }
0xb7: {  	_ =	sfence  }
0xb8: {  	s30 =	sld [smem:$0x0];
	_ =	sdelay $0x2  }
0xb9: {  	s31 =	sshll.u32 s1, $0xD;
	s1 =	sshrl.u32 s1, $0x2  }
0xba: {  	s3 =	sand.u32 $0x4000, s31;
	s1 =	sadd.s32 s1, s30  }
0xbb: {  	s0 =	sor.u32 s3, s0;
	s1 =	sshll.u32 s1, $0x11  }
0xbc: {  	s0 =	sor.u32 s1, s0  }
0xbd: {  	s0 =	sadd.s32 $0x8F2B, s0  }
0xbe: {  	[sflag:s0] =	ssyncadd.remote.s32 $0x1  }
0xbf: {  	_ =	sfence.sel $0xFFFF  }
0xc0: {  	[dreg:$0x0] =	wrdreg $0xFFFFFFFF;
	(pc) =	sbr.abs _section_cstart, $3  }
0xc1: {  	[dreg:$0x1] =	wrdreg $0xFFFFFFFF  }
0xc2: {  	_ =	task.clear_ibuf [dreg:s7], $0x2FFFF;
	_ =	strace $0x9FFFFFFF  }
0xc3: {  	(tm) =	ssettm $0x7FFFFFFF  }
tec
execute0_lowered:
.L_overlay_start_1:
0x0: {  	(tag) =	ssettag $0x1  }
0x1: {  	s0 =	rddreg [dreg:$0x0]  }
0x2: {  	s1 =	rddreg [dreg:$0x1]  }
0x3: {  	s11 =	rddreg [dreg:$0x2];
	s3 =	srdreg.scid;
	s2 =	simm.s32 $0x0  }
0x4: {  	s16 =	stileid.u32;
	s17 =	simm.s32 $0x4F00;
	s20 =	simm.s32 $0xA100  }
0x5: {  	s21 =	simm.s32 $0xF100;
	s22 =	simm.s32 $0xC900;
	s23 =	simm.s32 $0x80  }
0x6: {  	s28 =	simm.s32 $0x14100;
	s29 =	simm.s32 $0x16900;
	s30 =	simm.s32 $0x0  }
0x7: {  	s9 =	sand.u32 $0x1, s3;
	[smem:$0x7FF] =	sst s2;
	s6 =	smul.u32 $0x280, s16  }
0x8: {  	s4 =	sadd.s32 $0xAA00, s0;
	s25 =	sshrl.u32 s16, $0x3;
	s14 =	smul.u32 $0x5000, s16  }
0x9: {  	s31 =	sshll.u32 s16, $0x7;
	s3 =	sshll.u32 s9, $0x4;
	s7 =	smul.u32 $0x2800, s9  }
0xa: {  	_ =	strace $0x80000047;
	s24 =	ssub.s32 $0x2, s9;
	s26 =	smul.u32 $0x50000, s25  }
0xb: {  	s15 =	smul.u32 $0x500, s9;
	s25 =	simm.s32 $0x1400;
	s5 =	sor.u32 s16, s3  }
0xc: {  	s3 =	sadd.s32 $0xA200, s0;
	s12 =	sshrl.u32 s24, $0x1;
	s16 =	smul.u32 $0x50, s16  }
0xd: {  	s14 =	sshrl.u32 s14, $0x2;
	s8 =	smul.u32 $0x500, s5;
	s5 =	sadd.s32 $0xA800, s0  }
0xe: {  	s6 =	sadd.s32 s6, s7;
	s13 =	ssub.s32 s24, s12;
	s12 =	sand.u32 $0x380, s31  }
0xf: {  	s24 =	simm.s32 $0x400;
	s6 =	sshrl.u32 s6, $0x3;
	s13 =	smax.u32 s13, $0x1  }
0x10: {  	s10 =	sadd.s32 s8, s0;
	s0 =	sadd.s32 s6, s0;
	s7 =	sadd.s32 s1, s8  }
0x11: {  	s1 =	sshrl.u32 s26, $0x2;
	s26 =	simm.s32 $0x14000;
	s6 =	sadd.s32 $0xB000, s10  }
0x12: {  	s8 =	sadd.s32 $0x200, s10;
	s1 =	sadd.s32 s1, s11;
	s9 =	sadd.s32 $0x15000, s10  }
0x13: {  	s11 =	sadd.s32 s14, s11;
	s10 =	sadd.s32 s12, s1;
	s12 =	sadd.s32 $0x1F000, s0  }
0x14: {  	v0 =	vimm.f32 $0.0e+00;
	s0 =	sadd.s32 s16, s15;
	s15 =	simm.s32 $0x1;
	s16 =	simm.s32 $0x2780  }
.LBB2_1:
0x15: {  	[tilespmem:s2], [sflag:$0x1] =	stream.linear.gather [hbm4b:s3+s2], $0x2780, $0x38;
	[tilespmem:$0x16B80] =	vst v63  }
0x16: {  	_ =	swait.ge [sflag:s15], $0x2780  }
0x17: {  	[sflag:s15] =	ssyncset.done $0x0  }
0x18: {  	[sflag:s15] =	ssyncadd.s32 $0xFFFFD880  }
0x19: {  	[tilespmem:s16], [sflag:$0x1] =	stream.linear.gather [hbm4b:s4+s2], $0x2780, $0x38;
	[tilespmem:$0x16B80] =	vst v63  }
0x1a: {  	_ =	swait.ge [sflag:s15], $0x2780  }
0x1b: {  	[sflag:s15] =	ssyncset.done $0x0  }
0x1c: {  	[sflag:s15] =	ssyncadd.s32 $0xFFFFD880  }
0x1d: {  	[tilespmem:s17], [sflag:$0x1] =	stream.linear.gather [hbm4b:s5+s2], $0x200, $0x38;
	[tilespmem:$0x16B80] =	vst v63  }
0x1e: {  	_ =	swait.ge [sflag:s15], $0x200  }
0x1f: {  	[sflag:s15] =	ssyncset.done $0x0  }
0x20: {  	s1 =	simm.s32 $0x5100;
	[sflag:s15] =	ssyncadd.s32 $0xFFFFFE00  }
0x21: {  	[tilespmem:s1], [sflag:$0x1] =	stream.linear.gather [hbm4b:s6+s2], $0x2800, $0x38;
	[tilespmem:$0x16B80] =	vst v63  }
0x22: {  	_ =	swait.ge [sflag:s15], $0x2800  }
0x23: {  	[sflag:s15] =	ssyncset.done $0x0  }
0x24: {  	s31 =	simm.s32 $0x7900;
	[sflag:s15] =	ssyncadd.s32 $0xFFFFD800  }
0x25: {  	[tilespmem:s31], [sflag:$0x1] =	stream.linear.gather [hbm4b:s7+s2], $0x2800, $0x38;
	[tilespmem:$0x16B80] =	vst v63  }
0x26: {  	_ =	swait.ge [sflag:s15], $0x2800  }
0x27: {  	[sflag:s15] =	ssyncset.done $0x0  }
0x28: {  	[sflag:s15] =	ssyncadd.s32 $0xFFFFD800  }
0x29: {  	[tilespmem:s20], [sflag:$0x1] =	stream.linear.gather [hbm4b:s8+s2], $0x2800, $0x38;
	[tilespmem:$0x16B80] =	vst v63  }
0x2a: {  	_ =	swait.ge [sflag:s15], $0x2800  }
0x2b: {  	[sflag:s15] =	ssyncset.done $0x0  }
0x2c: {  	s1 =	simm.s32 $0x0;
	[sflag:s15] =	ssyncadd.s32 $0xFFFFD800  }
.LBB2_2:
0x2d: {  	p0 =	sne.s32 s1, $0x9FC0  }
.Ltmp0:
0x2e: {  	_ = 	snop;
	(pc) =	sbr.rel @p0 .LBB2_2-.Ltmp0, $3  }
0x2f: {  	_ =	sdelay $0x1  }
0x30: {  	s14 =	sshra.s32 s1, $0x2  }
0x31: {  	s1 =	sadd.s32 $0x40, s1;
	[tilespmem:s14+$0xF100] =	vst v0  }
.Ltmp1:
0x32: {  	(pc) =	sbr.rel .LBB2_4-.Ltmp1, $2  }
0x33: {  	_ =	sdelay $0x2  }
0x34: {  	s31 =	simm.s32 $0x0;
	s14 =	smov.u32 s0  }
.LBB2_6:
0x35: {  	s31 =	sadd.s32 $0x200, s31  }
0x36: {  	p0 =	sne.s32 s31, $0xA000  }
.Ltmp2:
0x37: {  	_ = 	snop;
	(pc) =	sbr.rel @!p0 .LBB2_7-.Ltmp2, $2  }
0x38: {  	_ =	sdelay $0x2  }
0x39: {  	s14 =	sadd.s32 $0x1, s14  }
.LBB2_4:
0x3a: {  	p0 =	sgt.u32 s14, $0x9C3  }
.Ltmp3:
0x3b: {  	_ = 	snop;
	(pc) =	sbr.rel @p0 .LBB2_6-.Ltmp3, $1  }
0x3c: {  	_ =	sdelay $0x3  }
0x3d: {  	s1 =	sshra.s32 s31, $0x2  }
0x3e: {  	v1 =	vld [tilespmem:s1+$0x5100]  }
0x3f: {  	v2 =	vld [tilespmem:s1+$0x7900];
	_ =	sdelay $0x1  }
0x40: {  	v3 =	vld [tilespmem:s1+$0xA100];
	_ =	sdelay $0x4  }
0x41: {  	v1 =	vld.idx.msk [tilespmem:v1+s2+$0x0], $0xffff  }
0x42: {  	v4 =	vld.idx.msk [tilespmem:v2+s16+$0x0], $0xffff;
	_ =	sdelay $0x1  }
0x43: {  	v3 =	vld.idx.msk [tilespmem:v3+s17+$0x0], $0xffff;
	_ =	sdelay $0x2  }
0x44: {  	v1 =	vadd.f32 v4, v1;
	_ =	sdelay $0x1  }
0x45: {  	v1 =	vadd.f32 v3, v1;
	_ =	sdelay $0x1  }
0x46: {  	v3 =	vmul.f32 $9.999999770e-03, v1  }
0x47: {  	vm0 =	vge.f32 v1, $0.0e+00  }
0x48: {  	v1 =	vsel vm0, v1, v3  }
0x49: {  	v1 =	vmul.f32 $1.442695020e+00, v1;
	_ =	sdelay $0x1  }
0x4a: {  	(erf) = vpow2.f32 v1;
	_ =	sdelay $0x8  }
0x4b: {  	v1 =	vpop (erf)  }
0x4c: {  	[tilespmem:s1+$0xC900] =	vst v1  }
0x4d: {  	[tilespmem:v2+s21+$0x0] =	vst.idx.add.f32.msk $0xffff, v1  }
0x4e: {  	v1 =	vld [tilespmem:s1+$0x5110]  }
0x4f: {  	v2 =	vld [tilespmem:s1+$0x7910];
	_ =	sdelay $0x1  }
0x50: {  	v3 =	vld [tilespmem:s1+$0xA110];
	_ =	sdelay $0x4  }
0x51: {  	v1 =	vld.idx.msk [tilespmem:v1+s2+$0x0], $0xffff  }
0x52: {  	v57 =	vld.idx.msk [tilespmem:v2+s16+$0x0], $0xffff;
	_ =	sdelay $0x1  }
0x53: {  	v3 =	vld.idx.msk [tilespmem:v3+s17+$0x0], $0xffff;
	_ =	sdelay $0x2  }
0x54: {  	v1 =	vadd.f32 v57, v1;
	_ =	sdelay $0x1  }
0x55: {  	v1 =	vadd.f32 v3, v1;
	_ =	sdelay $0x1  }
0x56: {  	v3 =	vmul.f32 $9.999999770e-03, v1  }
0x57: {  	vm9 =	vge.f32 v1, $0.0e+00  }
0x58: {  	v1 =	vsel vm9, v1, v3  }
0x59: {  	v1 =	vmul.f32 $1.442695020e+00, v1;
	_ =	sdelay $0x1  }
0x5a: {  	(erf) = vpow2.f32 v1;
	_ =	sdelay $0x8  }
0x5b: {  	v1 =	vpop (erf)  }
0x5c: {  	[tilespmem:s1+$0xC910] =	vst v1  }
0x5d: {  	[tilespmem:v2+s21+$0x0] =	vst.idx.add.f32.msk $0xffff, v1  }
0x5e: {  	v1 =	vld [tilespmem:s1+$0x5120]  }
0x5f: {  	v2 =	vld [tilespmem:s1+$0x7920];
	_ =	sdelay $0x1  }
0x60: {  	v3 =	vld [tilespmem:s1+$0xA120];
	_ =	sdelay $0x4  }
0x61: {  	v1 =	vld.idx.msk [tilespmem:v1+s2+$0x0], $0xffff  }
0x62: {  	v58 =	vld.idx.msk [tilespmem:v2+s16+$0x0], $0xffff;
	_ =	sdelay $0x1  }
0x63: {  	v3 =	vld.idx.msk [tilespmem:v3+s17+$0x0], $0xffff;
	_ =	sdelay $0x2  }
0x64: {  	v1 =	vadd.f32 v58, v1;
	_ =	sdelay $0x1  }
0x65: {  	v1 =	vadd.f32 v3, v1;
	_ =	sdelay $0x1  }
0x66: {  	v3 =	vmul.f32 $9.999999770e-03, v1  }
0x67: {  	vm10 =	vge.f32 v1, $0.0e+00  }
0x68: {  	v1 =	vsel vm10, v1, v3  }
0x69: {  	v1 =	vmul.f32 $1.442695020e+00, v1;
	_ =	sdelay $0x1  }
0x6a: {  	(erf) = vpow2.f32 v1;
	_ =	sdelay $0x8  }
0x6b: {  	v1 =	vpop (erf)  }
0x6c: {  	[tilespmem:s1+$0xC920] =	vst v1  }
0x6d: {  	[tilespmem:v2+s21+$0x0] =	vst.idx.add.f32.msk $0xffff, v1  }
0x6e: {  	v1 =	vld [tilespmem:s1+$0x5130]  }
0x6f: {  	v2 =	vld [tilespmem:s1+$0x7930];
	_ =	sdelay $0x1  }
0x70: {  	v3 =	vld [tilespmem:s1+$0xA130];
	_ =	sdelay $0x4  }
0x71: {  	v1 =	vld.idx.msk [tilespmem:v1+s2+$0x0], $0xffff  }
0x72: {  	v59 =	vld.idx.msk [tilespmem:v2+s16+$0x0], $0xffff;
	_ =	sdelay $0x1  }
0x73: {  	v3 =	vld.idx.msk [tilespmem:v3+s17+$0x0], $0xffff;
	_ =	sdelay $0x2  }
0x74: {  	v1 =	vadd.f32 v59, v1;
	_ =	sdelay $0x1  }
0x75: {  	v1 =	vadd.f32 v3, v1;
	_ =	sdelay $0x1  }
0x76: {  	v3 =	vmul.f32 $9.999999770e-03, v1  }
0x77: {  	vm11 =	vge.f32 v1, $0.0e+00  }
0x78: {  	v1 =	vsel vm11, v1, v3  }
0x79: {  	v1 =	vmul.f32 $1.442695020e+00, v1;
	_ =	sdelay $0x1  }
0x7a: {  	(erf) = vpow2.f32 v1;
	_ =	sdelay $0x8  }
0x7b: {  	v1 =	vpop (erf)  }
0x7c: {  	[tilespmem:s1+$0xC930] =	vst v1  }
0x7d: {  	[tilespmem:v2+s21+$0x0] =	vst.idx.add.f32.msk $0xffff, v1  }
0x7e: {  	v1 =	vld [tilespmem:s1+$0x5140]  }
0x7f: {  	v2 =	vld [tilespmem:s1+$0x7940];
	_ =	sdelay $0x1  }
0x80: {  	v3 =	vld [tilespmem:s1+$0xA140];
	_ =	sdelay $0x4  }
0x81: {  	v1 =	vld.idx.msk [tilespmem:v1+s2+$0x0], $0xffff  }
0x82: {  	v60 =	vld.idx.msk [tilespmem:v2+s16+$0x0], $0xffff;
	_ =	sdelay $0x1  }
0x83: {  	v3 =	vld.idx.msk [tilespmem:v3+s17+$0x0], $0xffff;
	_ =	sdelay $0x2  }
0x84: {  	v1 =	vadd.f32 v60, v1;
	_ =	sdelay $0x1  }
0x85: {  	v1 =	vadd.f32 v3, v1;
	_ =	sdelay $0x1  }
0x86: {  	v3 =	vmul.f32 $9.999999770e-03, v1  }
0x87: {  	vm12 =	vge.f32 v1, $0.0e+00  }
0x88: {  	v1 =	vsel vm12, v1, v3  }
0x89: {  	v1 =	vmul.f32 $1.442695020e+00, v1;
	_ =	sdelay $0x1  }
0x8a: {  	(erf) = vpow2.f32 v1;
	_ =	sdelay $0x8  }
0x8b: {  	v1 =	vpop (erf)  }
0x8c: {  	[tilespmem:s1+$0xC940] =	vst v1  }
0x8d: {  	[tilespmem:v2+s21+$0x0] =	vst.idx.add.f32.msk $0xffff, v1  }
0x8e: {  	v1 =	vld [tilespmem:s1+$0x5150]  }
0x8f: {  	v2 =	vld [tilespmem:s1+$0x7950];
	_ =	sdelay $0x1  }
0x90: {  	v3 =	vld [tilespmem:s1+$0xA150];
	_ =	sdelay $0x4  }
0x91: {  	v1 =	vld.idx.msk [tilespmem:v1+s2+$0x0], $0xffff  }
0x92: {  	v61 =	vld.idx.msk [tilespmem:v2+s16+$0x0], $0xffff;
	_ =	sdelay $0x1  }
0x93: {  	v3 =	vld.idx.msk [tilespmem:v3+s17+$0x0], $0xffff;
	_ =	sdelay $0x2  }
0x94: {  	v1 =	vadd.f32 v61, v1;
	_ =	sdelay $0x1  }
0x95: {  	v1 =	vadd.f32 v3, v1;
	_ =	sdelay $0x1  }
0x96: {  	v3 =	vmul.f32 $9.999999770e-03, v1  }
0x97: {  	vm13 =	vge.f32 v1, $0.0e+00  }
0x98: {  	v1 =	vsel vm13, v1, v3  }
0x99: {  	v1 =	vmul.f32 $1.442695020e+00, v1;
	_ =	sdelay $0x1  }
0x9a: {  	(erf) = vpow2.f32 v1;
	_ =	sdelay $0x8  }
0x9b: {  	v1 =	vpop (erf)  }
0x9c: {  	[tilespmem:s1+$0xC950] =	vst v1  }
0x9d: {  	[tilespmem:v2+s21+$0x0] =	vst.idx.add.f32.msk $0xffff, v1  }
0x9e: {  	v1 =	vld [tilespmem:s1+$0x5160]  }
0x9f: {  	v2 =	vld [tilespmem:s1+$0x7960];
	_ =	sdelay $0x1  }
0xa0: {  	v3 =	vld [tilespmem:s1+$0xA160];
	_ =	sdelay $0x4  }
0xa1: {  	v1 =	vld.idx.msk [tilespmem:v1+s2+$0x0], $0xffff  }
0xa2: {  	v62 =	vld.idx.msk [tilespmem:v2+s16+$0x0], $0xffff;
	_ =	sdelay $0x1  }
0xa3: {  	v3 =	vld.idx.msk [tilespmem:v3+s17+$0x0], $0xffff;
	_ =	sdelay $0x2  }
0xa4: {  	v1 =	vadd.f32 v62, v1;
	_ =	sdelay $0x1  }
0xa5: {  	v1 =	vadd.f32 v3, v1;
	_ =	sdelay $0x1  }
0xa6: {  	v3 =	vmul.f32 $9.999999770e-03, v1  }
0xa7: {  	vm14 =	vge.f32 v1, $0.0e+00  }
0xa8: {  	v1 =	vsel vm14, v1, v3  }
0xa9: {  	v1 =	vmul.f32 $1.442695020e+00, v1;
	_ =	sdelay $0x1  }
0xaa: {  	(erf) = vpow2.f32 v1;
	_ =	sdelay $0x8  }
0xab: {  	v1 =	vpop (erf)  }
0xac: {  	[tilespmem:s1+$0xC960] =	vst v1  }
0xad: {  	[tilespmem:v2+s21+$0x0] =	vst.idx.add.f32.msk $0xffff, v1  }
0xae: {  	v1 =	vld [tilespmem:s1+$0x5170]  }
0xaf: {  	v2 =	vld [tilespmem:s1+$0x7970];
	_ =	sdelay $0x1  }
0xb0: {  	v3 =	vld [tilespmem:s1+$0xA170];
	_ =	sdelay $0x4  }
0xb1: {  	v1 =	vld.idx.msk [tilespmem:v1+s2+$0x0], $0xffff  }
0xb2: {  	v63 =	vld.idx.msk [tilespmem:v2+s16+$0x0], $0xffff;
	_ =	sdelay $0x1  }
0xb3: {  	v3 =	vld.idx.msk [tilespmem:v3+s17+$0x0], $0xffff;
	_ =	sdelay $0x2  }
0xb4: {  	v1 =	vadd.f32 v63, v1;
	_ =	sdelay $0x1  }
0xb5: {  	v1 =	vadd.f32 v3, v1;
	_ =	sdelay $0x1  }
0xb6: {  	v3 =	vmul.f32 $9.999999770e-03, v1  }
0xb7: {  	vm15 =	vge.f32 v1, $0.0e+00  }
0xb8: {  	v1 =	vsel vm15, v1, v3  }
0xb9: {  	v1 =	vmul.f32 $1.442695020e+00, v1;
	_ =	sdelay $0x1  }
0xba: {  	(erf) = vpow2.f32 v1;
	_ =	sdelay $0x6  }
.Ltmp4:
0xbb: {  	_ = 	snop;
	(pc) =	sbr.rel .LBB2_6-.Ltmp4, $4  }
0xbc: {  	_ = 	snop  }
0xbd: {  	v1 =	vpop (erf)  }
0xbe: {  	[tilespmem:s1+$0xC970] =	vst v1  }
0xbf: {  	[tilespmem:v2+s21+$0x0] =	vst.idx.add.f32.msk $0xffff, v1  }
.LBB2_7:
0xc0: {  	s1 =	simm.s32 $0x0  }
0xc1: {  	[hbm4b:s9+s1] =	stream.linear.scatter [tilespmem:s22], [sflag:$0x1], $0x2800, $0x38;
	[tilespmem:$0x16B80] =	vst v63  }
0xc2: {  	_ =	swait.ge [sflag:s15], $0x2800  }
0xc3: {  	[sflag:s15] =	ssyncset.done $0x0  }
0xc4: {  	[sflag:s15] =	ssyncadd.s32 $0xFFFFD800  }
0xc5: {  	[spmem:s10] =	stream.strided.scatter [tilespmem:s21], [sflag:$0x1], $0x2800, s24, s23, $0x38;
	[tilespmem:$0x16B80] =	vst v63  }
0xc6: {  	_ =	swait.ge [sflag:s15], $0x2800  }
0xc7: {  	[sflag:s15] =	ssyncset.done $0x0  }
0xc8: {  	[sflag:s15] =	ssyncadd.s32 $0xFFFFD800  }
0xc9: {  	[bflag:$0x0] =	sbarrier.arrive $0xFFFF  }
0xca: {  	[tilespmem:s28], [sflag:$0x1] =	stream.strided.gather [spmem:s11], $0x2800, s26, s25, $0x38;
	[tilespmem:$0x16B80] =	vst v63  }
0xcb: {  	_ =	swait.ge [sflag:s15], $0x2800  }
0xcc: {  	s14 =	sand.u32 $0x70, s1;
	s1 =	sand.u32 $0x1C00, s1;
	[sflag:s15] =	ssyncset.done $0x0  }
0xcd: {  	s1 =	sor.u32 s14, s1;
	[sflag:s15] =	ssyncadd.s32 $0xFFFFD800  }
0xce: {  	v1 =	vld [tilespmem:s1+$0x14180]  }
0xcf: {  	v2 =	vld [tilespmem:s1+$0x14100];
	_ =	sdelay $0x1  }
0xd0: {  	v3 =	vld [tilespmem:s1+$0x14200];
	_ =	sdelay $0x1  }
0xd1: {  	v4 =	vld [tilespmem:s1+$0x14280]  }
0xd2: {  	v1 =	vadd.f32 v1, v2  }
0xd3: {  	v2 =	vld [tilespmem:s1+$0x14300]  }
0xd4: {  	v1 =	vadd.f32 v3, v1  }
0xd5: {  	v3 =	vld [tilespmem:s1+$0x14380]  }
0xd6: {  	v1 =	vadd.f32 v4, v1  }
0xd7: {  	v60 =	vld [tilespmem:s1+$0x14400]  }
0xd8: {  	v1 =	vadd.f32 v2, v1  }
0xd9: {  	v2 =	vld [tilespmem:s1+$0x14480]  }
0xda: {  	v1 =	vadd.f32 v3, v1  }
0xdb: {  	v3 =	vld [tilespmem:s1+$0x15500]  }
0xdc: {  	v1 =	vadd.f32 v60, v1  }
0xdd: {  	v61 =	vld [tilespmem:s1+$0x15580]  }
0xde: {  	v1 =	vadd.f32 v2, v1  }
0xdf: {  	v2 =	vld [tilespmem:s1+$0x15600]  }
0xe0: {  	v1 =	vadd.f32 v3, v1  }
0xe1: {  	v3 =	vld [tilespmem:s1+$0x15680]  }
0xe2: {  	v1 =	vadd.f32 v61, v1  }
0xe3: {  	v62 =	vld [tilespmem:s1+$0x15700]  }
0xe4: {  	v1 =	vadd.f32 v2, v1  }
0xe5: {  	v2 =	vld [tilespmem:s1+$0x15780]  }
0xe6: {  	v1 =	vadd.f32 v3, v1  }
0xe7: {  	v3 =	vld [tilespmem:s1+$0x15800]  }
0xe8: {  	v1 =	vadd.f32 v62, v1  }
0xe9: {  	v63 =	vld [tilespmem:s1+$0x15880]  }
0xea: {  	v1 =	vadd.f32 v2, v1;
	_ =	sdelay $0x1  }
0xeb: {  	v1 =	vadd.f32 v3, v1;
	_ =	sdelay $0x1  }
0xec: {  	s19 =	simm.s32 $0x10;
	s31 =	simm.s32 $0x80;
	v1 =	vadd.f32 v63, v1  }
0xed: {  	s18 =	sand.u32 $0x1C00, s31;
	s14 =	sand.u32 $0x70, s19;
	s1 =	simm.s32 $0x16900  }
0xee: {  	s14 =	sor.u32 s14, s18;
	s18 =	simm.s32 $0x20;
	[tilespmem:s1+$0x0] =	vst v1  }
.LBB2_8:
0xef: {  	p0 =	sne.s32 s18, $0x270;
	v1 =	vld [tilespmem:s14+$0x14180]  }
0xf0: {  	v2 =	vld [tilespmem:s14+$0x14100];
	_ =	sdelay $0x1  }
0xf1: {  	v3 =	vld [tilespmem:s14+$0x14200];
	_ =	sdelay $0x1  }
0xf2: {  	v4 =	vld [tilespmem:s14+$0x14280]  }
0xf3: {  	v1 =	vadd.f32 v1, v2  }
0xf4: {  	v2 =	vld [tilespmem:s14+$0x14300]  }
0xf5: {  	v1 =	vadd.f32 v3, v1  }
0xf6: {  	v3 =	vld [tilespmem:s14+$0x14380]  }
0xf7: {  	v1 =	vadd.f32 v4, v1  }
0xf8: {  	v4 =	vld [tilespmem:s14+$0x14400]  }
0xf9: {  	v1 =	vadd.f32 v2, v1  }
0xfa: {  	v2 =	vld [tilespmem:s14+$0x14480]  }
0xfb: {  	v1 =	vadd.f32 v3, v1  }
0xfc: {  	v3 =	vld [tilespmem:s14+$0x15500]  }
0xfd: {  	v1 =	vadd.f32 v4, v1  }
0xfe: {  	v4 =	vld [tilespmem:s14+$0x15580]  }
0xff: {  	v1 =	vadd.f32 v2, v1  }
0x100: {  	v2 =	vld [tilespmem:s14+$0x15600]  }
0x101: {  	v1 =	vadd.f32 v3, v1  }
0x102: {  	v3 =	vld [tilespmem:s14+$0x15680]  }
0x103: {  	v1 =	vadd.f32 v4, v1  }
0x104: {  	v4 =	vld [tilespmem:s14+$0x15700]  }
0x105: {  	v1 =	vadd.f32 v2, v1  }
0x106: {  	v2 =	vld [tilespmem:s14+$0x15780]  }
0x107: {  	v1 =	vadd.f32 v3, v1  }
0x108: {  	v3 =	vld [tilespmem:s14+$0x15800]  }
0x109: {  	v1 =	vadd.f32 v4, v1  }
0x10a: {  	v4 =	vld [tilespmem:s14+$0x15880]  }
0x10b: {  	v1 =	vadd.f32 v2, v1;
	_ =	sdelay $0x1  }
.Ltmp5:
0x10c: {  	v1 =	vadd.f32 v3, v1;
	(pc) =	sbr.rel @p0 .LBB2_8-.Ltmp5, $4  }
0x10d: {  	_ = 	snop  }
0x10e: {  	s31 =	sadd.s32 $0x80, s31;
	v1 =	vadd.f32 v4, v1  }
0x10f: {  	s1 =	sadd.s32 $0x10, s1;
	s19 =	sand.u32 $0x1C00, s31;
	s14 =	sand.u32 $0x70, s18  }
0x110: {  	s18 =	sadd.s32 $0x10, s18;
	s14 =	sor.u32 s14, s19;
	[tilespmem:s1+$0x0] =	vst v1  }
0x111: {  	v1 =	vld [tilespmem:s14+$0x14180]  }
0x112: {  	v2 =	vld [tilespmem:s14+$0x14100];
	_ =	sdelay $0x1  }
0x113: {  	v3 =	vld [tilespmem:s14+$0x14200];
	_ =	sdelay $0x1  }
0x114: {  	v4 =	vld [tilespmem:s14+$0x14280]  }
0x115: {  	v1 =	vadd.f32 v1, v2  }
0x116: {  	v2 =	vld [tilespmem:s14+$0x14300]  }
0x117: {  	v1 =	vadd.f32 v3, v1  }
0x118: {  	v3 =	vld [tilespmem:s14+$0x14380]  }
0x119: {  	v1 =	vadd.f32 v4, v1  }
0x11a: {  	v60 =	vld [tilespmem:s14+$0x14400]  }
0x11b: {  	v1 =	vadd.f32 v2, v1  }
0x11c: {  	v2 =	vld [tilespmem:s14+$0x14480]  }
0x11d: {  	v1 =	vadd.f32 v3, v1  }
0x11e: {  	v3 =	vld [tilespmem:s14+$0x15500]  }
0x11f: {  	v1 =	vadd.f32 v60, v1  }
0x120: {  	v61 =	vld [tilespmem:s14+$0x15580]  }
0x121: {  	v1 =	vadd.f32 v2, v1  }
0x122: {  	v2 =	vld [tilespmem:s14+$0x15600]  }
0x123: {  	v1 =	vadd.f32 v3, v1  }
0x124: {  	v3 =	vld [tilespmem:s14+$0x15680]  }
0x125: {  	v1 =	vadd.f32 v61, v1  }
0x126: {  	v62 =	vld [tilespmem:s14+$0x15700]  }
0x127: {  	v1 =	vadd.f32 v2, v1  }
0x128: {  	v2 =	vld [tilespmem:s14+$0x15780]  }
0x129: {  	v1 =	vadd.f32 v3, v1  }
0x12a: {  	v3 =	vld [tilespmem:s14+$0x15800]  }
0x12b: {  	v1 =	vadd.f32 v62, v1  }
0x12c: {  	v63 =	vld [tilespmem:s14+$0x15880]  }
0x12d: {  	v1 =	vadd.f32 v2, v1;
	_ =	sdelay $0x1  }
0x12e: {  	v1 =	vadd.f32 v3, v1;
	_ =	sdelay $0x1  }
0x12f: {  	s30 =	sadd.s32 $0x1, s30;
	v1 =	vadd.f32 v63, v1  }
0x130: {  	s1 =	sadd.s32 $0x10, s1;
	p0 =	sne.s32 s30, s13  }
.Ltmp6:
0x131: {  	[tilespmem:s1+$0x0] =	vst v1;
	(pc) =	sbr.rel @p0 .LBB2_1-.Ltmp6, $4  }
0x132: {  	[hbm4b:s12+s2] =	stream.linear.scatter [tilespmem:s29], [sflag:$0x1], $0x280, $0x38;
	[tilespmem:$0x16B80] =	vst v63  }
0x133: {  	_ =	swait.ge [sflag:s15], $0x280  }
0x134: {  	[sflag:s15] =	ssyncset.done $0x0  }
0x135: {  	[sflag:s15] =	ssyncadd.s32 $0xFFFFFD80  }
0x136: {  	_ =	sfence.sel $0x180000  }
0x137: {  	[bflag:$0x0] =	sbarrier.arrive $0xFFFF  }
0x138: {  	_ =	strace $0x90000047  }
0x139: {  	s0 =	stileid.u32;
	[bflag:$0x2] =	sbarrier.arrive $0xFFFF  }
0x13a: {  	p0 =	sne.s32 s0, $0x0;
	s0 =	rddreg [dreg:$0x3]  }
0x13b: {  	s0 =	sadd.s32 @!p0 $0x100000, s0  }
0x13c: {  	[sflag:s0] =	ssyncadd.tile.s32 @!p0 $0x1;
	_ =	shalt  }
.Lfunc_end2:
_tile_overlayer_lowered:
.L_overlay_start_2:
0x13d: {  	(tag) =	ssettag $0x2  }
0x13e: {  	s0 =	rddreg [dreg:$0x0];
	s2 =	stileid.u32  }
0x13f: {  	s1 =	rddreg [dreg:$0x1];
	p0 =	sne.s32 s2, $0x0  }
0x140: {  	s3 =	rddreg [dreg:$0x2];
	[bflag:$0x3] =	sbarrier.arrive $0xFFFF;
	s2 =	simm.s32 @!p0 $0x1C01  }
0x141: {  	[timem:s3], [sflag:s2] =	dma.local @!p0 [hbm:s0], s1  }
0x142: {  	s0 =	simm.s32 @!p0 $0x1  }
0x143: {  	_ =	swait.ge @!p0 [sflag:s0], s1  }
0x144: {  	s1 =	ssub.s32 @!p0 $0x0, s1;
	[sflag:s0] =	ssyncset.done @!p0 $0x0  }
0x145: {  	[sflag:s0] =	ssyncadd.s32 @!p0 s1  }
0x146: {  	[bflag:$0x3] =	sbarrier.arrive $0xFFFF  }
0x147: {  	_ =	shalt  }

// kernel: kernel.9.cloned.1.call-start
scs
__scs_entry_jumppad:
0x0: {  	(pc) =	sbr.rel $0x88, $3  }
0x1: {  	(tag) =	ssettag $0x0;
	lr =	simm.s32 $0x1  }
0x2: {  	[smem:$0x3F9B] =	sst lr;
	_ =	strace $0xD0000000  }
0x3: {  	_ = 	snop  }
0x4: {  	_ = 	snop  }
0x5: {  	_ = 	snop  }
0x6: {  	_ = 	snop  }
0x7: {  	_ = 	snop  }
__scs_overlays_trampoline_lowered:
0x8: {  	[smem:$0x3FAA] =	sst s0  }
0x9: {  	[smem:$0x3FAB] =	sst s1  }
0xa: {  	[smem:$0x3FAC] =	sst s2  }
0xb: {  	[smem:$0x3FAD] =	sst s3  }
0xc: {  	[smem:$0x3FAE] =	sst s4  }
0xd: {  	[smem:$0x3FAF] =	sst s5  }
0xe: {  	[smem:$0x3FB0] =	sst s6  }
0xf: {  	[smem:$0x3FB1] =	sst s7  }
0x10: {  	[smem:$0x3FB2] =	sst s8  }
0x11: {  	[smem:$0x3FB3] =	sst s9;
	s0 =	simm.s32 @!p0 $0x0  }
0x12: {  	s1 =	sld [smem:$0x3F99];
	s0 =	simm.s32 @p0 $0x1  }
0x13: {  	[smem:$0x3FB4] =	sst s0;
	s0 =	simm.s32 @!p1 $0x0  }
0x14: {  	s2 =	sld [smem:$0x3F98];
	s0 =	simm.s32 @p1 $0x1  }
0x15: {  	[smem:$0x3FB5] =	sst s0;
	s0 =	simm.s32 @!p2 $0x0  }
0x16: {  	s3 =	sld [smem:$0x3FDB];
	s0 =	simm.s32 @p2 $0x1  }
0x17: {  	s4 =	simm.s32 $0x1BF5;
	[smem:$0x3FB7] =	sst s0  }
0x18: {  	s0 =	sld [smem:$0x3F9A];
	_ =	swait.ge [sflag:s4], $0x0  }
0x19: {  	s7 =	sld [smem:$0x3F9B]  }
0x1a: {  	s8 =	sadd.s32 $0xFFFFE003, lr  }
0x1b: {  	s9 =	sadd.s32 $0xFFFFFEF7, lr;
	s5 =	simm.s32 $0xFFFFFFFF;
	p2 =	slt.u32 s8, $0xFFFFF086  }
0x1c: {  	p1 =	slt.u32 s9, $0xF7A;
	s5 =	simm.s32 @!p2 $0x0  }
0x1d: {  	s5 =	simm.s32 @p1 $0x1;
	p0 =	seq.s32 s7, s2  }
0x1e: {  	s7 =	smul.u32 @!p0 $0xF7A, s2;
	p2 =	seq.s32 @!p0 s5, $0x0  }
0x1f: {  	s9 =	smul.u32 $0xF7A, s1;
	s8 =	simm.s32 @!p0 $0x1BF5;
	p2 =	por !p2, p0  }
0x20: {  	[sflag:s8] =	ssyncset.s32 @!p0 $0xFFFFF086;
	s6 =	sadd.s32 @!p0 s3, s7;
	s7 =	simm.s32 @!p0 $0x108  }
0x21: {  	s3 =	sadd.s32 s3, s9;
	s6 =	sadd.s32 @!p0 $0x88, s6;
	s7 =	simm.s32 @p2 $0x1082  }
0x22: {  	[simem:s7], [sflag:s8] =	dma.local @!p0 [hbm:s6], $0xF7A  }
0x23: {  	s9 =	sor.u32 $0xD0000000, s2;
	s6 =	simm.s32 $0x108;
	_ =	swait.ge @!p0 [sflag:s8], $0x0  }
0x24: {  	s3 =	sadd.s32 $0x88, s3;
	s6 =	simm.s32 @!p1 $0x1082;
	[sflag:s4] =	ssyncset.s32 $0xFFFFF086  }
0x25: {  	[simem:s6], [sflag:s4] =	dma.local [hbm:s3], $0xF7A  }
0x26: {  	[smem:$0x3F9B] =	sst s1;
	(tag) =	ssettag s2;
	_ =	strace s9  }
0x27: {  	s1 =	sld [smem:$0x3FAB]  }
0x28: {  	s2 =	sld [smem:$0x3FAC]  }
0x29: {  	s4 =	sld [smem:$0x3FAE]  }
0x2a: {  	p0 =	seq.s32 s5, $0x0;
	s5 =	sld [smem:$0x3FAF]  }
0x2b: {  	s6 =	sld [smem:$0x3FB0]  }
0x2c: {  	s7 =	sld [smem:$0x3FB1]  }
0x2d: {  	s3 =	simm.s32 $0x108;
	s8 =	sld [smem:$0x3FB2]  }
0x2e: {  	s3 =	simm.s32 @!p0 $0x1082;
	s9 =	sld [smem:$0x3FB3]  }
0x2f: {  	lr =	sadd.s32 s0, s3;
	s0 =	sld [smem:$0x3FAA]  }
0x30: {  	s3 =	sld [smem:$0x3FAD]  }
0x31: {  	[smem:$0x3FB6] =	sst s10  }
0x32: {  	s10 =	sld [smem:$0x3FB4];
	_ =	sdelay $0x3  }
0x33: {  	p0 =	seq.s32 s10, $0x1;
	s10 =	sld [smem:$0x3FB6];
	_ =	sdelay $0x3  }
0x34: {  	[smem:$0x3FB6] =	sst s10  }
0x35: {  	s10 =	sld [smem:$0x3FB5];
	_ =	sdelay $0x3  }
0x36: {  	p1 =	seq.s32 s10, $0x1;
	s10 =	sld [smem:$0x3FB6];
	_ =	sdelay $0x3  }
0x37: {  	[smem:$0x3FB6] =	sst s10  }
0x38: {  	s10 =	sld [smem:$0x3FB7]  }
0x39: {  	_ = 	snop;
	(pc) =	sbr.ind lr, $3  }
0x3a: {  	_ = 	snop  }
0x3b: {  	_ = 	snop  }
0x3c: {  	p2 =	seq.s32 s10, $0x1;
	s10 =	sld [smem:$0x3FB6]  }
0x3d: {  	_ =	shalt  }
0x3e: {  	_ =	shalt  }
0x3f: {  	_ =	shalt  }
0x40: {  	_ =	shalt  }
0x41: {  	_ =	shalt  }
0x42: {  	_ =	shalt  }
0x43: {  	_ =	shalt  }
0x44: {  	_ =	shalt  }
0x45: {  	_ =	shalt  }
0x46: {  	_ =	shalt  }
0x47: {  	_ =	shalt  }
0x48: {  	_ =	shalt  }
0x49: {  	_ =	shalt  }
0x4a: {  	_ =	shalt  }
0x4b: {  	_ =	shalt  }
0x4c: {  	_ =	shalt  }
0x4d: {  	_ =	shalt  }
0x4e: {  	_ =	shalt  }
0x4f: {  	_ =	shalt  }
0x50: {  	_ =	shalt  }
0x51: {  	_ =	shalt  }
0x52: {  	_ =	shalt  }
0x53: {  	_ =	shalt  }
0x54: {  	_ =	shalt  }
0x55: {  	_ =	shalt  }
0x56: {  	_ =	shalt  }
0x57: {  	_ =	shalt  }
0x58: {  	_ =	shalt  }
0x59: {  	_ =	shalt  }
0x5a: {  	_ =	shalt  }
0x5b: {  	_ =	shalt  }
0x5c: {  	_ =	shalt  }
0x5d: {  	_ =	shalt  }
0x5e: {  	_ =	shalt  }
0x5f: {  	_ =	shalt  }
0x60: {  	_ =	shalt  }
0x61: {  	_ =	shalt  }
0x62: {  	_ =	shalt  }
0x63: {  	_ =	shalt  }
0x64: {  	_ =	shalt  }
0x65: {  	_ =	shalt  }
0x66: {  	_ =	shalt  }
0x67: {  	_ =	shalt  }
0x68: {  	_ =	shalt  }
0x69: {  	_ =	shalt  }
0x6a: {  	_ =	shalt  }
0x6b: {  	_ =	shalt  }
0x6c: {  	_ =	shalt  }
0x6d: {  	_ =	shalt  }
0x6e: {  	_ =	shalt  }
0x6f: {  	_ =	shalt  }
0x70: {  	_ =	shalt  }
0x71: {  	_ =	shalt  }
0x72: {  	_ =	shalt  }
0x73: {  	_ =	shalt  }
0x74: {  	_ =	shalt  }
0x75: {  	_ =	shalt  }
0x76: {  	_ =	shalt  }
0x77: {  	_ =	shalt  }
0x78: {  	_ =	shalt  }
0x79: {  	_ =	shalt  }
0x7a: {  	_ =	shalt  }
0x7b: {  	_ =	shalt  }
0x7c: {  	_ =	shalt  }
0x7d: {  	_ =	shalt  }
0x7e: {  	_ =	shalt  }
0x7f: {  	_ =	shalt  }
0x80: {  	_ =	shalt  }
0x81: {  	_ =	shalt  }
0x82: {  	_ =	shalt  }
0x83: {  	_ =	shalt  }
0x84: {  	_ =	shalt  }
0x85: {  	_ =	shalt  }
0x86: {  	_ =	shalt  }
0x87: {  	_ =	shalt  }
.Lfunc_end0:
.L_simem_size_0:
called_computation.1_lowered:
.L_overlay_start_0:
0x88: {  	s2 =	sld [smem:$0x3FD9]  }
0x89: {  	s3 =	sld [smem:$0x3FFE];
	_ =	sdelay $0x1  }
0x8a: {  	s1 =	srdreg.scid  }
0x8b: {  	s0 =	sand.u32 $0x1, s1  }
0x8c: {  	s17 =	sshll.u32 s0, $0xA;
	s2 =	sadd.s32 s3, s2  }
0x8d: {  	s2 =	sadd.s32 s2, s17  }
0x8e: {  	[smem:$0x3FC2] =	sst s2  }
0x8f: {  	_ = 	snop  }
0x90: {  	s2 =	sld [smem:$0x3FC9]  }
0x91: {  	s18 =	sld [smem:$0x3FD0];
	(tm) =	ssettm $0x1  }
0x92: {  	s4 =	sld [smem:$0x3FFB];
	_ =	sdelay $0x3  }
0x93: {  	_ =	strace s4  }
0x94: {  	s4 =	sld [smem:$0x3FFC];
	_ =	sdelay $0x3  }
0x95: {  	_ =	strace s4  }
0x96: {  	s4 =	sld [smem:$0x3FFD];
	_ =	sdelay $0x3  }
0x97: {  	_ =	strace s4  }
0x98: {  	_ =	strace $0x8FFFFFFF  }
0x99: {  	s19 =	sld [smem:$0x3FDB];
	_ =	sdelay $0x1  }
0x9a: {  	s5 =	simm.s32 $_scs_section_size  }
0x9b: {  	s6 =	simm.s32 $_size__tile_overlayer_lowered;
	s7 =	simm.s32 $_tile_overlayer_lowered  }
0x9c: {  	s22 =	simm.s32 $0x1BFF;
	s21 =	sshll.u32 s7, $0x1;
	s4 =	sadd.s32 s5, s19  }
0x9d: {  	s8 =	simm.s32 $0x0;
	s20 =	sshll.u32 s6, $0x1;
	s6 =	sadd.s32 s21, s4  }
0x9e: {  	[timem:s8], [sflag:s22] =	dma.local [hbm:s6], s20  }
0x9f: {  	_ =	swait.ge [sflag:s22], s20  }
0xa0: {  	s5 =	ssub.s32 $0x0, s20;
	[sflag:s22] =	ssyncset.done $0x0  }
0xa1: {  	[sflag:s22] =	ssyncadd.s32 s5;
	_ =	sdelay $0x1  }
0xa2: {  	s23 =	simm.s32 $0x1B8B  }
0xa3: {  	_ =	swait.ge [sflag:s23], $0x1  }
0xa4: {  	[sflag:s23] =	ssyncset.done $0x0  }
0xa5: {  	s25 =	simm.s32 $0x1B8E;
	s24 =	sld [smem:$0x3FFE];
	[sflag:s23] =	ssyncadd.s32 $0xFFFFFFFF  }
0xa6: {  	s26 =	simm.s32 $execute0_lowered;
	[smem:$0x3FD2] =	sst s25  }
0xa7: {  	s6 =	sshll.u32 s26, $0x1;
	_ =	strace $0x80000049;
	[dreg:$0x1] =	wrdreg $0xFFFFFFFF  }
0xa8: {  	s28 =	simm.s32 $_size_execute0_lowered;
	s4 =	sadd.s32 s4, s6;
	[dreg:$0x0] =	wrdreg $0x0  }
0xa9: {  	s6 =	sshll.u32 s28, $0x1;
	[dreg:$0x2] =	wrdreg s4  }
0xaa: {  	[dreg:$0x3] =	wrdreg s6  }
0xab: {  	[dreg:$0x4] =	wrdreg $0xC0  }
0xac: {  	_ =	task [dreg:s8], $0x5FFFF  }
0xad: {  	[dreg:$0x1] =	wrdreg $0xFFFFFFFF  }
0xae: {  	[dreg:$0x0] =	wrdreg $0x60  }
0xaf: {  	[dreg:$0x2] =	wrdreg s2  }
0xb0: {  	[dreg:$0x3] =	wrdreg s24  }
0xb1: {  	[dreg:$0x4] =	wrdreg s18  }
0xb2: {  	[dreg:$0x5] =	wrdreg $0xA8800  }
0xb3: {  	[dreg:$0x6] =	wrdreg $0x9  }
0xb4: {  	_ =	task.clear_ibuf [dreg:s8], $0x7FFFF;
	_ =	strace $0x90000049  }
0xb5: {  	s29 =	simm.s32 $0x9;
	_ =	strace $0x8000004B  }
0xb6: {  	_ =	swait.ge [sflag:s29], $0x1  }
0xb7: {  	[sflag:s29] =	ssyncadd.s32 $0xFFFFFFFF  }
0xb8: {  	_ =	strace $0x9000004B  }
0xb9: {  	_ =	sfence  }
0xba: {  	s30 =	sld [smem:$0x0];
	_ =	sdelay $0x2  }
0xbb: {  	s31 =	sshll.u32 s1, $0xD;
	s1 =	sshrl.u32 s1, $0x2  }
0xbc: {  	s3 =	sand.u32 $0x4000, s31;
	s1 =	sadd.s32 s1, s30  }
0xbd: {  	s0 =	sor.u32 s3, s0;
	s1 =	sshll.u32 s1, $0x11  }
0xbe: {  	s0 =	sor.u32 s1, s0  }
0xbf: {  	s0 =	sadd.s32 $0x8F2B, s0  }
0xc0: {  	[sflag:s0] =	ssyncadd.remote.s32 $0x1  }
0xc1: {  	_ =	sfence.sel $0xFFFF  }
0xc2: {  	[dreg:$0x0] =	wrdreg $0xFFFFFFFF;
	(pc) =	sbr.abs _section_cstart, $3  }
0xc3: {  	[dreg:$0x1] =	wrdreg $0xFFFFFFFF  }
0xc4: {  	_ =	task.clear_ibuf [dreg:s8], $0x2FFFF;
	_ =	strace $0x9FFFFFFF  }
0xc5: {  	(tm) =	ssettm $0x7FFFFFFF  }
tec
execute0_lowered:
.L_overlay_start_1:
0x0: {  	(tag) =	ssettag $0x1  }
0x1: {  	s1 =	rddreg [dreg:$0x0]  }
0x2: {  	s0 =	rddreg [dreg:$0x1]  }
0x3: {  	s3 =	rddreg [dreg:$0x2]  }
0x4: {  	s4 =	rddreg [dreg:$0x3]  }
0x5: {  	s12 =	stileid.u32;
	s2 =	srdreg.scid;
	s6 =	simm.s32 $0x0  }
0x6: {  	s18 =	simm.s32 $0x2;
	s20 =	simm.s32 $0x6880;
	s21 =	simm.s32 $0x5000  }
0x7: {  	s22 =	simm.s32 $0x5800;
	s23 =	simm.s32 $0x6000;
	s24 =	simm.s32 $0x80  }
0x8: {  	s25 =	simm.s32 $0x1;
	s28 =	simm.s32 $0x0;
	s29 =	simm.s32 $0x0  }
0x9: {  	s5 =	smul.u32 $0x280, s12;
	s2 =	sand.u32 $0x1, s2;
	[smem:$0x7FF] =	sst s6  }
0xa: {  	s6 =	sadd.s32 $0xB000, s0;
	s7 =	sadd.s32 $0x15000, s0;
	s9 =	sadd.s32 $0x1F000, s0  }
0xb: {  	s8 =	smul.u32 $0x138800, s2;
	_ =	strace $0x8000004A;
	[dreg:$0x5] =	wrdreg s9  }
0xc: {  	s26 =	ssub.s32 $0x2, s2;
	s2 =	sshll.u32 s2, $0x4;
	s5 =	smin.u32 s5, $0x2490  }
0xd: {  	s10 =	sshrl.u32 s26, $0x1;
	s2 =	sor.u32 s12, s2;
	s5 =	sshll.u32 s5, $0x7  }
0xe: {  	s11 =	ssub.s32 s26, s10;
	s10 =	smul.u32 $0x50, s2;
	s26 =	simm.s32 $0x6800  }
.Ltmp0:
0xf: {  	s8 =	sadd.s32 s8, s5;
	s9 =	sadd.s32 s5, s4;
	(pc) =	sbr.rel .LBB2_1-.Ltmp0, $4  }
0x10: {  	s17 =	smax.u32 s11, $0x1;
	s8 =	sshrl.u32 s8, $0x3;
	s30 =	sadd.s32 $0x4000, s9  }
0x11: {  	s31 =	sadd.s32 $0x8000, s9;
	s14 =	sadd.s32 $0xC000, s9;
	[dreg:$0x7] =	wrdreg s30  }
0x12: {  	s8 =	sadd.s32 s8, s0;
	s0 =	sadd.s32 $0x1F500, s0;
	[dreg:$0x8] =	wrdreg s31  }
0x13: {  	v0 =	vimm.f32 $0.0e+00;
	s15 =	sadd.s32 $0x10000, s9;
	[dreg:$0x6] =	wrdreg s0;
	s16 =	sadd.s32 $0x1FA00, s8  }
.LBB2_13:
0x14: {  	s0 =	stileid.u32;
	s28 =	sadd.s32 $0x1, s28  }
0x15: {  	[bflag:$0x0] =	sbarrier.arrive $0xFFFF;
	s0 =	sshll.u32 s0, $0x6;
	p0 =	sne.s32 s28, s17  }
.Ltmp1:
0x16: {  	s2 =	sshrl.u32 s9, $0x3;
	s0 =	sor.u32 $0x1C02, s0;
	(pc) =	sbr.rel @!p0 .LBB2_14-.Ltmp1, $4  }
0x17: {  	[hbm:s16], [sflag:s0] =	dma.local [spmem:s2], $0x2800  }
0x18: {  	_ =	swait.ge [sflag:s18], $0x2800  }
0x19: {  	[sflag:s18] =	ssyncset.done $0x0  }
0x1a: {  	[sflag:s18] =	ssyncadd.s32 $0xFFFFD800  }
.LBB2_1:
0x1b: {  	s0 =	simm.s32 $0x0;
	s2 =	rddreg [dreg:$0x5]  }
0x1c: {  	[tilespmem:s0], [sflag:$0x2] =	stream.linear.gather [hbm4b:s2+s0], $0x2800, $0x38;
	[tilespmem:$0x1E100] =	vst v63  }
0x1d: {  	_ =	swait.ge [sflag:s18], $0x2800  }
0x1e: {  	[sflag:s18] =	ssyncset.done $0x0  }
0x1f: {  	s5 =	simm.s32 $0x2800;
	s31 =	rddreg [dreg:$0x6];
	[sflag:s18] =	ssyncadd.s32 $0xFFFFD800  }
0x20: {  	[tilespmem:s5], [sflag:$0x2] =	stream.linear.gather [hbm4b:s31+s0], $0x2800, $0x38;
	[tilespmem:$0x1E100] =	vst v63  }
0x21: {  	_ =	swait.ge [sflag:s18], $0x2800  }
0x22: {  	[sflag:s18] =	ssyncset.done $0x0  }
0x23: {  	s0 =	simm.s32 $0x0;
	[sflag:s18] =	ssyncadd.s32 $0xFFFFD800  }
0x24: {  	s2 =	simm.s32 $0x40;
	v1 =	vld [tilespmem:s0+$0x2800]  }
.LBB2_2:
0x25: {  	p0 =	sne.s32 s2, $0x9FC0;
	v2 =	vld [tilespmem:s0+$0x0];
	_ =	sdelay $0x2  }
.Ltmp2:
0x26: {  	(pc) =	sbr.rel @p0 .LBB2_2-.Ltmp2, $4  }
0x27: {  	_ = 	snop  }
0x28: {  	v2 =	vadd.f32 v1, v2  }
0x29: {  	s5 =	sshra.s32 s2, $0x2  }
0x2a: {  	s2 =	sadd.s32 $0x40, s2;
	v1 =	vld [tilespmem:s5+$0x2800];
	[tilespmem:s0+$0x0] =	vst v2;
	s0 =	smov.u32 s5  }
0x2b: {  	v2 =	vld [tilespmem:s0+$0x0];
	_ =	sdelay $0x3  }
0x2c: {  	s2 =	simm.s32 $0x0  }
0x2d: {  	s5 =	sand.u32 $0xE00, s2;
	v1 =	vadd.f32 v1, v2  }
0x2e: {  	s8 =	sand.u32 $0x70, s2;
	s5 =	sshrl.u32 s5, $0x2  }
0x2f: {  	s5 =	sor.u32 s8, s5;
	[tilespmem:s0+$0x0] =	vst v1;
	s0 =	simm.s32 $0x40  }
.LBB2_4:
0x30: {  	p0 =	sne.s32 s0, $0xFC0  }
0x31: {  	[tilespmem:s5+$0x6880] =	vst v0;
	s2 =	sadd.s32 $0x10, s2;
	s5 =	smov.u32 s0;
	s0 =	sadd.s32 $0x40, s0  }
.Ltmp3:
0x32: {  	(pc) =	sbr.rel @p0 .LBB2_4-.Ltmp3, $4  }
0x33: {  	_ = 	snop  }
0x34: {  	s5 =	sand.u32 $0xE00, s5  }
0x35: {  	s8 =	sand.u32 $0x70, s2;
	s5 =	sshrl.u32 s5, $0x2  }
0x36: {  	s5 =	sor.u32 s8, s5  }
0x37: {  	[tilespmem:s5+$0x6880] =	vst v0  }
0x38: {  	[spmem:s9] =	stream.linear.scatter [tilespmem:s20], [sflag:$0x2], $0x4000, $0x38;
	[tilespmem:$0x1E100] =	vst v63  }
0x39: {  	_ =	swait.ge [sflag:s18], $0x4000  }
0x3a: {  	[sflag:s18] =	ssyncset.done $0x0  }
0x3b: {  	s0 =	rddreg [dreg:$0x7];
	[sflag:s18] =	ssyncadd.s32 $0xFFFFC000  }
0x3c: {  	[spmem:s0] =	stream.linear.scatter [tilespmem:s20], [sflag:$0x2], $0x4000, $0x38;
	[tilespmem:$0x1E100] =	vst v63  }
0x3d: {  	_ =	swait.ge [sflag:s18], $0x4000  }
0x3e: {  	[sflag:s18] =	ssyncset.done $0x0  }
0x3f: {  	s31 =	rddreg [dreg:$0x8];
	[sflag:s18] =	ssyncadd.s32 $0xFFFFC000  }
0x40: {  	[spmem:s31] =	stream.linear.scatter [tilespmem:s20], [sflag:$0x2], $0x4000, $0x38;
	[tilespmem:$0x1E100] =	vst v63  }
0x41: {  	_ =	swait.ge [sflag:s18], $0x4000  }
0x42: {  	[sflag:s18] =	ssyncset.done $0x0  }
0x43: {  	[sflag:s18] =	ssyncadd.s32 $0xFFFFC000  }
0x44: {  	[spmem:s14] =	stream.linear.scatter [tilespmem:s20], [sflag:$0x2], $0x4000, $0x38;
	[tilespmem:$0x1E100] =	vst v63  }
0x45: {  	_ =	swait.ge [sflag:s18], $0x4000  }
0x46: {  	[sflag:s18] =	ssyncset.done $0x0  }
0x47: {  	[sflag:s18] =	ssyncadd.s32 $0xFFFFC000  }
0x48: {  	[spmem:s15] =	stream.linear.scatter [tilespmem:s20], [sflag:$0x2], $0x4000, $0x38;
	[tilespmem:$0x1E100] =	vst v63  }
.Ltmp4:
0x49: {  	_ =	swait.ge [sflag:s18], $0x4000;
	(pc) =	sbr.rel .LBB2_6-.Ltmp4, $4  }
0x4a: {  	[sflag:s18] =	ssyncset.done $0x0  }
0x4b: {  	[sflag:s18] =	ssyncadd.s32 $0xFFFFC000  }
0x4c: {  	[bflag:$0x0] =	sbarrier.arrive $0xFFFF  }
0x4d: {  	s30 =	simm.s32 $0x0  }
.LBB2_12:
0x4e: {  	s30 =	sadd.s32 $0x1, s30  }
0x4f: {  	p0 =	sne.s32 s30, $0x5  }
.Ltmp5:
0x50: {  	_ = 	snop;
	(pc) =	sbr.rel @!p0 .LBB2_13-.Ltmp5, $1  }
0x51: {  	_ =	sdelay $0x3  }
.LBB2_6:
0x52: {  	s0 =	sshll.u32 s30, $0x4  }
0x53: {  	s31 =	sadd.s32 s10, s0  }
0x54: {  	s0 =	sshll.u32 s31, $0x4  }
0x55: {  	s2 =	sadd.s32 s6, s0  }
0x56: {  	[tilespmem:s21], [sflag:$0x2] =	stream.linear.gather [hbm4b:s2+s29], $0x800, $0x38;
	[tilespmem:$0x1E100] =	vst v63  }
0x57: {  	_ =	swait.ge [sflag:s18], $0x800  }
0x58: {  	[sflag:s18] =	ssyncset.done $0x0  }
0x59: {  	s19 =	sadd.s32 s3, s0;
	[sflag:s18] =	ssyncadd.s32 $0xFFFFF800  }
0x5a: {  	[tilespmem:s22], [sflag:$0x2] =	stream.linear.gather [hbm4b:s19+s29], $0x800, $0x38;
	[tilespmem:$0x1E100] =	vst v63  }
0x5b: {  	_ =	swait.ge [sflag:s18], $0x800  }
0x5c: {  	[sflag:s18] =	ssyncset.done $0x0  }
.Ltmp6:
0x5d: {  	s0 =	sadd.s32 s7, s0;
	[sflag:s18] =	ssyncadd.s32 $0xFFFFF800;
	(pc) =	sbr.rel .LBB2_7-.Ltmp6, $4  }
0x5e: {  	[tilespmem:s23], [sflag:$0x2] =	stream.linear.gather [hbm4b:s0+s29], $0x800, $0x38;
	[tilespmem:$0x1E100] =	vst v63  }
0x5f: {  	_ =	swait.ge [sflag:s18], $0x800  }
0x60: {  	[sflag:s18] =	ssyncset.done $0x0  }
0x61: {  	s2 =	simm.s32 $0x0;
	[sflag:s18] =	ssyncadd.s32 $0xFFFFF800  }
.LBB2_10:
0x62: {  	v6 =	vmul.f32 v6, v3  }
0x63: {  	v8 =	vld [tilespmem:s0+$0x50];
	v4 =	vmul.f32 v4, v3  }
0x64: {  	v9 =	vld [tilespmem:s0+$0x70];
	v1 =	vmul.f32 v1, v3;
	[tilespmem:s0+$0x60] =	vst v6  }
0x65: {  	v54 =	vmul.f32 v7, v3;
	[tilespmem:s0+$0x40] =	vst v4  }
0x66: {  	s8 =	sadd.s32 $0x3, s19;
	v5 =	vmul.f32 v5, v3;
	[tilespmem:s0+$0x20] =	vst v1  }
0x67: {  	v56 =	vmov s8;
	v1 =	vmul.f32 v2, v3;
	[tilespmem:s0+$0x0] =	vst v54  }
0x68: {  	[tilespmem:s0+$0x10] =	vst v5;
	v55 =	vmul.f32 v8, v3  }
0x69: {  	[tilespmem:s0+$0x30] =	vst v1;
	v3 =	vmul.f32 v9, v3  }
0x6a: {  	[tilespmem:s0+$0x50] =	vst v55  }
0x6b: {  	v2 =	vld [tilespmem:s0+$0x80];
	[tilespmem:s0+$0x70] =	vst v3  }
0x6c: {  	v1 =	vld.idx.msk [tilespmem:v56+s26+$0x0], $0xffff  }
0x6d: {  	v3 =	vld [tilespmem:s0+$0xA0]  }
0x6e: {  	v59 =	vld [tilespmem:s0+$0xE0]  }
0x6f: {  	v57 =	vld [tilespmem:s0+$0xC0]  }
0x70: {  	v58 =	vld [tilespmem:s0+$0xF0]  }
0x71: {  	v60 =	vld [tilespmem:s0+$0x90];
	v2 =	vmul.f32 v2, v1  }
0x72: {  	v61 =	vld [tilespmem:s0+$0xB0];
	v3 =	vmul.f32 v3, v1  }
0x73: {  	v62 =	vld [tilespmem:s0+$0xD0];
	v63 =	vmul.f32 v59, v1;
	[tilespmem:s0+$0x80] =	vst v2  }
0x74: {  	v2 =	vmul.f32 v57, v1;
	[tilespmem:s0+$0xA0] =	vst v3  }
0x75: {  	v3 =	vmul.f32 v58, v1;
	[tilespmem:s0+$0xE0] =	vst v63  }
0x76: {  	[tilespmem:s0+$0xC0] =	vst v2;
	v2 =	vmul.f32 v60, v1  }
0x77: {  	[tilespmem:s0+$0xF0] =	vst v3;
	v3 =	vmul.f32 v61, v1  }
0x78: {  	v1 =	vmul.f32 v62, v1;
	[tilespmem:s0+$0x90] =	vst v2  }
0x79: {  	[tilespmem:s0+$0xB0] =	vst v3  }
0x7a: {  	[tilespmem:s0+$0xD0] =	vst v1  }
0x7b: {  	[spmem:s4] =	stream.indirect.scatter.add.f32 [tilespmem:s20], [sflag:$0x2], $0x80, s5, s24, $0xb8;
	[tilespmem:$0x1E100] =	vst v63  }
0x7c: {  	_ =	swait.ge [sflag:s18], $0x4000  }
0x7d: {  	[sflag:s18] =	ssyncset.done $0x0  }
0x7e: {  	[sflag:s18] =	ssyncadd.s32 $0xFFFFC000  }
.LBB2_11:
0x7f: {  	s2 =	sadd.s32 $0x1, s2  }
0x80: {  	p0 =	sne.s32 s2, $0x10  }
.Ltmp7:
0x81: {  	_ = 	snop;
	(pc) =	sbr.rel @!p0 .LBB2_12-.Ltmp7, $1  }
0x82: {  	_ =	sdelay $0x3  }
.LBB2_7:
0x83: {  	s0 =	sor.u32 s31, s2  }
0x84: {  	p0 =	sgt.u32 s0, $0x9C3  }
.Ltmp8:
0x85: {  	_ = 	snop;
	(pc) =	sbr.rel @p0 .LBB2_11-.Ltmp8, $1  }
0x86: {  	_ =	sdelay $0x3  }
0x87: {  	s5 =	sshll.u32 s2, $0x7  }
0x88: {  	s0 =	sadd.s32 $0x5000, s5  }
0x89: {  	[tilespmem:s20], [sflag:$0x1] =	stream.indirect.gather [hbm4b:s1+s24], $0x80, s0, s24, $0xb8;
	[tilespmem:$0x1E100] =	vst v63  }
0x8a: {  	v1 =	vld [tilespmem:s5+$0x5800];
	_ =	sdelay $0x6  }
0x8b: {  	s19 =	simm.s32 $0x0  }
0x8c: {  	v1 =	vld.idx.msk [tilespmem:v1+s19+$0x0], $0xffff;
	_ =	sdelay $0x4  }
0x8d: {  	(erf) = vrcp.f32 v1;
	_ =	sdelay $0x4  }
0x8e: {  	v1 =	vld [tilespmem:s5+$0x6000];
	_ =	sdelay $0x3  }
0x8f: {  	v2 =	vpop (erf)  }
0x90: {  	v1 =	vmul.f32 v2, v1;
	_ =	sdelay $0x1  }
0x91: {  	[tilespmem:$0x6800] =	vst v1  }
0x92: {  	v1 =	vld [tilespmem:s5+$0x5810];
	_ =	sdelay $0x7  }
0x93: {  	v1 =	vld.idx.msk [tilespmem:v1+s19+$0x0], $0xffff;
	_ =	sdelay $0x4  }
0x94: {  	(erf) = vrcp.f32 v1;
	_ =	sdelay $0x4  }
0x95: {  	v1 =	vld [tilespmem:s5+$0x6010];
	_ =	sdelay $0x3  }
0x96: {  	v2 =	vpop (erf)  }
0x97: {  	v1 =	vmul.f32 v2, v1;
	_ =	sdelay $0x1  }
0x98: {  	[tilespmem:$0x6810] =	vst v1  }
0x99: {  	v1 =	vld [tilespmem:s5+$0x5820];
	_ =	sdelay $0x7  }
0x9a: {  	v1 =	vld.idx.msk [tilespmem:v1+s19+$0x0], $0xffff;
	_ =	sdelay $0x4  }
0x9b: {  	(erf) = vrcp.f32 v1;
	_ =	sdelay $0x4  }
0x9c: {  	v1 =	vld [tilespmem:s5+$0x6020];
	_ =	sdelay $0x3  }
0x9d: {  	v2 =	vpop (erf)  }
0x9e: {  	v1 =	vmul.f32 v2, v1;
	_ =	sdelay $0x1  }
0x9f: {  	[tilespmem:$0x6820] =	vst v1  }
0xa0: {  	v1 =	vld [tilespmem:s5+$0x5830];
	_ =	sdelay $0x7  }
0xa1: {  	v1 =	vld.idx.msk [tilespmem:v1+s19+$0x0], $0xffff;
	_ =	sdelay $0x4  }
0xa2: {  	(erf) = vrcp.f32 v1;
	_ =	sdelay $0x4  }
0xa3: {  	v1 =	vld [tilespmem:s5+$0x6030];
	_ =	sdelay $0x3  }
0xa4: {  	v2 =	vpop (erf)  }
0xa5: {  	v1 =	vmul.f32 v2, v1;
	_ =	sdelay $0x1  }
0xa6: {  	[tilespmem:$0x6830] =	vst v1  }
0xa7: {  	v1 =	vld [tilespmem:s5+$0x5840];
	_ =	sdelay $0x7  }
0xa8: {  	v1 =	vld.idx.msk [tilespmem:v1+s19+$0x0], $0xffff;
	_ =	sdelay $0x4  }
0xa9: {  	(erf) = vrcp.f32 v1;
	_ =	sdelay $0x4  }
0xaa: {  	v1 =	vld [tilespmem:s5+$0x6040];
	_ =	sdelay $0x3  }
0xab: {  	v2 =	vpop (erf)  }
0xac: {  	v1 =	vmul.f32 v2, v1;
	_ =	sdelay $0x1  }
0xad: {  	[tilespmem:$0x6840] =	vst v1  }
0xae: {  	v1 =	vld [tilespmem:s5+$0x5850];
	_ =	sdelay $0x7  }
0xaf: {  	v1 =	vld.idx.msk [tilespmem:v1+s19+$0x0], $0xffff;
	_ =	sdelay $0x4  }
0xb0: {  	(erf) = vrcp.f32 v1;
	_ =	sdelay $0x4  }
0xb1: {  	v1 =	vld [tilespmem:s5+$0x6050];
	_ =	sdelay $0x3  }
0xb2: {  	v2 =	vpop (erf)  }
0xb3: {  	v1 =	vmul.f32 v2, v1;
	_ =	sdelay $0x1  }
0xb4: {  	[tilespmem:$0x6850] =	vst v1  }
0xb5: {  	v1 =	vld [tilespmem:s5+$0x5860];
	_ =	sdelay $0x7  }
0xb6: {  	v1 =	vld.idx.msk [tilespmem:v1+s19+$0x0], $0xffff;
	_ =	sdelay $0x4  }
0xb7: {  	(erf) = vrcp.f32 v1;
	_ =	sdelay $0x4  }
0xb8: {  	v1 =	vld [tilespmem:s5+$0x6060];
	_ =	sdelay $0x3  }
0xb9: {  	v2 =	vpop (erf)  }
0xba: {  	v1 =	vmul.f32 v2, v1;
	_ =	sdelay $0x1  }
0xbb: {  	[tilespmem:$0x6860] =	vst v1  }
0xbc: {  	v1 =	vld [tilespmem:s5+$0x5870];
	_ =	sdelay $0x7  }
0xbd: {  	v1 =	vld.idx.msk [tilespmem:v1+s19+$0x0], $0xffff;
	_ =	sdelay $0x4  }
0xbe: {  	(erf) = vrcp.f32 v1;
	_ =	sdelay $0x4  }
0xbf: {  	v1 =	vld [tilespmem:s5+$0x6070];
	_ =	sdelay $0x3  }
0xc0: {  	v3 =	vmov s19;
	v2 =	vpop (erf)  }
0xc1: {  	v1 =	vmul.f32 v2, v1;
	v2 =	vand.u32 $0xFFFFFFFC, v3  }
0xc2: {  	v2 =	vbroadcast v2, $0x0  }
0xc3: {  	[tilespmem:$0x6870] =	vst v1  }
0xc4: {  	_ =	swait.ge [sflag:s25], $0x4000  }
0xc5: {  	[sflag:s25] =	ssyncset.done $0x0  }
0xc6: {  	s0 =	simm.s32 $0x6980;
	[sflag:s25] =	ssyncadd.s32 $0xFFFFC000  }
0xc7: {  	v1 =	vld [tilespmem:s0+$0xFFFFFF70]  }
0xc8: {  	v2 =	vld.idx.msk [tilespmem:v2+s26+$0x0], $0xffff  }
0xc9: {  	v3 =	vld [tilespmem:s0+$0xFFFFFF00]  }
0xca: {  	v4 =	vld [tilespmem:s0+$0xFFFFFF20]  }
0xcb: {  	v5 =	vld [tilespmem:s0+$0xFFFFFF50]  }
0xcc: {  	v6 =	vld [tilespmem:s0+$0xFFFFFF40]  }
0xcd: {  	v7 =	vld [tilespmem:s0+$0xFFFFFF60];
	v1 =	vmul.f32 v1, v2  }
0xce: {  	s8 =	simm.s32 $0x1;
	v8 =	vld [tilespmem:s0+$0xFFFFFF30];
	v3 =	vmul.f32 v3, v2  }
0xcf: {  	v9 =	vld [tilespmem:s0+$0xFFFFFF10];
	v4 =	vmul.f32 v4, v2;
	[tilespmem:s0+$0xFFFFFF70] =	vst v1;
	v1 =	vmov s8  }
0xd0: {  	v5 =	vmul.f32 v5, v2;
	[tilespmem:s0+$0xFFFFFF00] =	vst v3;
	v1 =	vand.u32 $0xFFFFFFFD, v1  }
0xd1: {  	v3 =	vmul.f32 v6, v2;
	[tilespmem:s0+$0xFFFFFF20] =	vst v4;
	v1 =	vbroadcast v1, $0x0  }
0xd2: {  	v4 =	vmul.f32 v7, v2;
	[tilespmem:s0+$0xFFFFFF50] =	vst v5  }
0xd3: {  	v5 =	vmul.f32 v8, v2;
	[tilespmem:s0+$0xFFFFFF40] =	vst v3  }
0xd4: {  	v2 =	vmul.f32 v9, v2;
	[tilespmem:s0+$0xFFFFFF60] =	vst v4  }
0xd5: {  	v6 =	vld [tilespmem:s0+$0xFFFFFFC0];
	[tilespmem:s0+$0xFFFFFF30] =	vst v5  }
0xd6: {  	[tilespmem:s0+$0xFFFFFF10] =	vst v2;
	v2 =	vld [tilespmem:s0+$0xFFFFFF90]  }
0xd7: {  	v3 =	vld.idx.msk [tilespmem:v1+s26+$0x0], $0xffff  }
0xd8: {  	v1 =	vld [tilespmem:s0+$0xFFFFFFA0]  }
0xd9: {  	v4 =	vld [tilespmem:s0+$0xFFFFFF80]  }
0xda: {  	v5 =	vld [tilespmem:s0+$0xFFFFFFB0]  }
0xdb: {  	v7 =	vld [tilespmem:s0+$0xFFFFFFD0]  }
0xdc: {  	v8 =	vld [tilespmem:s0+$0xFFFFFFF0];
	v2 =	vmul.f32 v2, v3  }
0xdd: {  	s13 =	simm.s32 $0x2;
	v1 =	vmul.f32 v1, v3  }
0xde: {  	v63 =	vld [tilespmem:s0+$0xFFFFFFE0];
	v4 =	vmul.f32 v4, v3;
	[tilespmem:s0+$0xFFFFFF90] =	vst v2;
	v2 =	vmov s13  }
0xdf: {  	v5 =	vmul.f32 v5, v3;
	[tilespmem:s0+$0xFFFFFFA0] =	vst v1;
	v1 =	vand.u32 $0xFFFFFFFE, v2  }
0xe0: {  	[tilespmem:s0+$0xFFFFFF80] =	vst v4;
	v4 =	vmul.f32 v7, v3;
	v7 =	vld [tilespmem:s0+$0x0];
	v10 =	vbroadcast v1, $0x0  }
0xe1: {  	[tilespmem:s0+$0xFFFFFFB0] =	vst v5;
	v5 =	vmul.f32 v8, v3;
	v2 =	vmul.f32 v6, v3;
	v6 =	vld [tilespmem:s0+$0x60]  }
0xe2: {  	v1 =	vld [tilespmem:s0+$0x20];
	[tilespmem:s0+$0xFFFFFFD0] =	vst v4  }
0xe3: {  	v3 =	vmul.f32 v63, v3;
	[tilespmem:s0+$0xFFFFFFF0] =	vst v5;
	v4 =	vld [tilespmem:s0+$0x40]  }
0xe4: {  	v5 =	vld [tilespmem:s0+$0x10];
	[tilespmem:s0+$0xFFFFFFC0] =	vst v2  }
0xe5: {  	v2 =	vld [tilespmem:s0+$0x30];
	[tilespmem:s0+$0xFFFFFFE0] =	vst v3  }
0xe6: {  	s11 =	simm.s32 $0x6980;
	s5 =	sadd.s32 $0x5800, s5;
	s8 =	simm.s32 $0x4;
	v3 =	vld.idx.msk [tilespmem:v10+s26+$0x0], $0xffff  }
.LBB2_9:
0xe7: {  	p0 =	sne.s32 s8, $0x7C  }
0xe8: {  	v8 =	vld [tilespmem:s0+$0x50];
	s11 =	sadd.s32 $0x200, s11;
	s12 =	smov.u32 s8;
	s8 =	sadd.s32 $0x4, s8  }
0xe9: {  	v9 =	vld [tilespmem:s0+$0x70];
	_ =	sdelay $0x1  }
0xea: {  	v7 =	vmul.f32 v7, v3;
	v6 =	vmul.f32 v6, v3  }
0xeb: {  	v5 =	vmul.f32 v5, v3;
	v4 =	vmul.f32 v4, v3  }
0xec: {  	v1 =	vmul.f32 v1, v3;
	v2 =	vmul.f32 v2, v3;
	[tilespmem:s0+$0x60] =	vst v6  }
0xed: {  	[tilespmem:s0+$0x40] =	vst v4;
	v4 =	vmul.f32 v8, v3;
	v3 =	vmul.f32 v9, v3  }
0xee: {  	s13 =	sadd.s32 $0x3, s19;
	s19 =	smov.u32 s12;
	[tilespmem:s0+$0x20] =	vst v1;
	v6 =	vld [tilespmem:s0+$0x80]  }
0xef: {  	v1 =	vld [tilespmem:s11+$0x20];
	[tilespmem:s0+$0x0] =	vst v7;
	v7 =	vmov s13  }
0xf0: {  	[tilespmem:s0+$0x50] =	vst v4;
	v4 =	vld [tilespmem:s0+$0xE0]  }
0xf1: {  	[tilespmem:s0+$0x30] =	vst v2;
	v8 =	vld [tilespmem:s0+$0xC0]  }
0xf2: {  	v2 =	vld [tilespmem:s11+$0x30];
	[tilespmem:s0+$0x10] =	vst v5  }
0xf3: {  	[tilespmem:s0+$0x70] =	vst v3;
	v3 =	vld [tilespmem:s0+$0xA0]  }
0xf4: {  	v5 =	vld.idx.msk [tilespmem:v7+s26+$0x0], $0xffff  }
0xf5: {  	v7 =	vld [tilespmem:s0+$0x90]  }
0xf6: {  	v9 =	vld [tilespmem:s0+$0xB0]  }
0xf7: {  	v10 =	vld [tilespmem:s0+$0xD0]  }
0xf8: {  	v11 =	vld [tilespmem:s0+$0xF0];
	_ =	sdelay $0x1  }
0xf9: {  	v6 =	vmul.f32 v6, v5;
	v7 =	vmul.f32 v7, v5  }
0xfa: {  	v3 =	vmul.f32 v3, v5;
	v9 =	vmul.f32 v9, v5  }
0xfb: {  	v12 =	vmov s19;
	[tilespmem:s0+$0x80] =	vst v6;
	v6 =	vmul.f32 v8, v5;
	v8 =	vmul.f32 v10, v5  }
0xfc: {  	v10 =	vand.u32 $0xFFFFFFFC, v12;
	[tilespmem:s0+$0xA0] =	vst v3;
	v3 =	vmul.f32 v4, v5;
	v4 =	vmul.f32 v11, v5  }
0xfd: {  	v5 =	vbroadcast v10, $0x0;
	[tilespmem:s0+$0xC0] =	vst v6  }
0xfe: {  	[tilespmem:s0+$0xF0] =	vst v4  }
0xff: {  	v4 =	vld [tilespmem:s11+$0xFFFFFF40];
	[tilespmem:s0+$0xE0] =	vst v3  }
0x100: {  	v3 =	vld [tilespmem:s11+$0xFFFFFF50];
	[tilespmem:s0+$0x90] =	vst v7  }
0x101: {  	v6 =	vld [tilespmem:s11+$0xFFFFFF60];
	[tilespmem:s0+$0xB0] =	vst v9  }
0x102: {  	v7 =	vld [tilespmem:s11+$0xFFFFFF70];
	[tilespmem:s0+$0xD0] =	vst v8;
	s0 =	smov.u32 s11  }
0x103: {  	v5 =	vld.idx.msk [tilespmem:v5+s26+$0x0], $0xffff  }
0x104: {  	v8 =	vld [tilespmem:s11+$0xFFFFFF00]  }
0x105: {  	v9 =	vld [tilespmem:s11+$0xFFFFFF20]  }
0x106: {  	v10 =	vld [tilespmem:s11+$0xFFFFFF10]  }
0x107: {  	v11 =	vld [tilespmem:s11+$0xFFFFFF30];
	_ =	sdelay $0x1  }
0x108: {  	v7 =	vmul.f32 v7, v5;
	v8 =	vmul.f32 v8, v5  }
0x109: {  	s12 =	sadd.s32 $0x1, s19;
	v6 =	vmul.f32 v6, v5;
	v9 =	vmul.f32 v9, v5  }
0x10a: {  	v3 =	vmul.f32 v3, v5;
	v10 =	vmul.f32 v10, v5;
	[tilespmem:s11+$0xFFFFFF70] =	vst v7;
	v7 =	vmov s12  }
0x10b: {  	v4 =	vmul.f32 v4, v5;
	[tilespmem:s11+$0xFFFFFF00] =	vst v8;
	v8 =	vmul.f32 v11, v5;
	v5 =	vand.u32 $0xFFFFFFFD, v7  }
0x10c: {  	[tilespmem:s11+$0xFFFFFF20] =	vst v9;
	v5 =	vbroadcast v5, $0x0  }
0x10d: {  	[tilespmem:s11+$0xFFFFFF50] =	vst v3  }
0x10e: {  	[tilespmem:s11+$0xFFFFFF40] =	vst v4;
	v3 =	vld [tilespmem:s11+$0xFFFFFFF0]  }
0x10f: {  	[tilespmem:s11+$0xFFFFFF60] =	vst v6;
	v4 =	vld [tilespmem:s11+$0xFFFFFFC0]  }
0x110: {  	[tilespmem:s11+$0xFFFFFF30] =	vst v8;
	v6 =	vld [tilespmem:s11+$0xFFFFFFD0]  }
0x111: {  	[tilespmem:s11+$0xFFFFFF10] =	vst v10;
	v7 =	vld [tilespmem:s11+$0xFFFFFF90]  }
0x112: {  	v5 =	vld.idx.msk [tilespmem:v5+s26+$0x0], $0xffff  }
0x113: {  	v8 =	vld [tilespmem:s11+$0xFFFFFF80]  }
0x114: {  	v9 =	vld [tilespmem:s11+$0xFFFFFFA0]  }
0x115: {  	v10 =	vld [tilespmem:s11+$0xFFFFFFB0]  }
0x116: {  	v11 =	vld [tilespmem:s11+$0xFFFFFFE0];
	_ =	sdelay $0x1  }
0x117: {  	v7 =	vmul.f32 v7, v5;
	v8 =	vmul.f32 v8, v5  }
0x118: {  	s12 =	sadd.s32 $0x2, s19;
	v6 =	vmul.f32 v6, v5;
	v9 =	vmul.f32 v9, v5  }
0x119: {  	v4 =	vmul.f32 v4, v5;
	[tilespmem:s11+$0xFFFFFF90] =	vst v7;
	v7 =	vmul.f32 v10, v5;
	v10 =	vmov s12  }
0x11a: {  	v3 =	vmul.f32 v3, v5;
	[tilespmem:s11+$0xFFFFFFA0] =	vst v9;
	v9 =	vmul.f32 v11, v5;
	v5 =	vand.u32 $0xFFFFFFFE, v10  }
0x11b: {  	[tilespmem:s11+$0xFFFFFF80] =	vst v8;
	v5 =	vbroadcast v5, $0x0  }
0x11c: {  	[tilespmem:s11+$0xFFFFFFB0] =	vst v7  }
0x11d: {  	[tilespmem:s11+$0xFFFFFFC0] =	vst v4  }
0x11e: {  	[tilespmem:s11+$0xFFFFFFD0] =	vst v6  }
.Ltmp9:
0x11f: {  	[tilespmem:s11+$0xFFFFFFF0] =	vst v3;
	v4 =	vld [tilespmem:s11+$0x40];
	(pc) =	sbr.rel @p0 .LBB2_9-.Ltmp9, $4  }
0x120: {  	[tilespmem:s11+$0xFFFFFFE0] =	vst v9;
	v6 =	vld [tilespmem:s11+$0x60]  }
0x121: {  	v3 =	vld.idx.msk [tilespmem:v5+s26+$0x0], $0xffff  }
0x122: {  	v7 =	vld [tilespmem:s11+$0x0]  }
0x123: {  	v5 =	vld [tilespmem:s11+$0x10]  }
.Ltmp10:
0x124: {  	_ = 	snop;
	(pc) =	sbr.rel .LBB2_10-.Ltmp10, $1  }
0x125: {  	_ =	sdelay $0x3  }
.LBB2_14:
0x126: {  	_ =	sfence.sel $0x180000  }
0x127: {  	[bflag:$0x0] =	sbarrier.arrive $0xFFFF  }
0x128: {  	_ =	strace $0x9000004A  }
0x129: {  	s0 =	stileid.u32;
	[bflag:$0x2] =	sbarrier.arrive $0xFFFF  }
0x12a: {  	p0 =	sne.s32 s0, $0x0;
	s0 =	rddreg [dreg:$0x4]  }
0x12b: {  	s0 =	sadd.s32 @!p0 $0x100000, s0  }
0x12c: {  	[sflag:s0] =	ssyncadd.tile.s32 @!p0 $0x1;
	_ =	shalt  }
.Lfunc_end2:
_tile_overlayer_lowered:
.L_overlay_start_2:
0x12d: {  	(tag) =	ssettag $0x2  }
0x12e: {  	s0 =	rddreg [dreg:$0x0];
	s2 =	stileid.u32  }
0x12f: {  	s1 =	rddreg [dreg:$0x1];
	p0 =	sne.s32 s2, $0x0  }
0x130: {  	s3 =	rddreg [dreg:$0x2];
	[bflag:$0x3] =	sbarrier.arrive $0xFFFF;
	s2 =	simm.s32 @!p0 $0x1C02  }
0x131: {  	[timem:s3], [sflag:s2] =	dma.local @!p0 [hbm:s0], s1  }
0x132: {  	s0 =	simm.s32 @!p0 $0x2  }
0x133: {  	_ =	swait.ge @!p0 [sflag:s0], s1  }
0x134: {  	s1 =	ssub.s32 @!p0 $0x0, s1;
	[sflag:s0] =	ssyncset.done @!p0 $0x0  }
0x135: {  	[sflag:s0] =	ssyncadd.s32 @!p0 s1  }
0x136: {  	[bflag:$0x3] =	sbarrier.arrive $0xFFFF  }
0x137: {  	_ =	shalt  }

</sc_bundles>
